<compile_context>
chip_gen: v7x
topology: tpu7x:2x2x1
jax: 0.10.2.dev20260603
libtpu: 0.0.44.dev20260713+nightly
codegen_flags: <defaults>
</compile_context>

<pallas_src>
import jax
import jax.numpy as jnp
from jax import lax
from jax.experimental import pallas as pl
from jax.experimental.pallas import tpu as pltpu
from jax.experimental.pallas import tpu_sc as plsc

N = 10000
E = 320000
D = 128
R = 8
T = 64

NC = 2
NS = 16
NW = NC * NS
LANES = 16
EW = E // NW
CHUNK = 80
SUB = CHUNK // LANES
NCHUNKS = EW // CHUNK
CW = 16
CROWS = 640
NP = 10240
NZS = 10
SROWS = N // NZS

BN = 2000
BNP = 2048
HPW = NP // NW
HCH = 80
HNCH = HPW // HCH


def _make_edge_agg(dout: int, with_cnt: bool):
  mesh = plsc.VectorSubcoreMesh(core_axis_name="c", subcore_axis_name="s",
                                num_cores=NC, num_subcores=NS)
  out_type = [jax.ShapeDtypeStruct((NC, NP, dout), jnp.float32)]
  if with_cnt:
    out_type.append(jax.ShapeDtypeStruct((NC, CROWS, CW), jnp.float32))
  scratch = [
      pltpu.VMEM((NCHUNKS, CHUNK), jnp.int32),
      pltpu.VMEM((NCHUNKS, CHUNK), jnp.int32),
      pltpu.VMEM((LANES, dout), jnp.float32),
      pltpu.VMEM((LANES, dout), jnp.float32),
      pltpu.VMEM_SHARED((N, dout), jnp.float32),
      pltpu.SemaphoreType.DMA,
      pltpu.SemaphoreType.DMA,
  ]
  if with_cnt:
    scratch.append(pltpu.VMEM((LANES, CW), jnp.float32))
    scratch.append(pltpu.VMEM((LANES, CW), jnp.float32))
    scratch.append(pltpu.SemaphoreType.DMA)
    scratch.append(pltpu.SemaphoreType.DMA)
    scratch.append(pltpu.VMEM_SHARED((CROWS, CW), jnp.float32))

  def body(*refs):
    it = iter(refs)
    table_r = next(it)
    idx_r = next(it)
    dst_r = next(it)
    zeros_r = next(it)
    zcnt_r = next(it) if with_cnt else None
    oh_r = next(it) if with_cnt else None
    part_r = next(it)
    cnt_r = next(it) if with_cnt else None
    idx_v = next(it)
    dst_v = next(it)
    bufs = [next(it), next(it)]
    acc_sh = next(it)
    sem = next(it)
    sem_s = next(it)
    if with_cnt:
      ohbufs = [next(it), next(it)]
      sem2 = next(it)
      sem_p = next(it)
      cnt_sh = next(it)

    cid = lax.axis_index("c")
    sid = lax.axis_index("s")
    wid = sid * NC + cid

    pltpu.sync_copy(idx_r.at[wid], idx_v)
    pltpu.sync_copy(dst_r.at[wid], dst_v)

    @pl.when(sid < NZS)
    def _zero_acc():
      stripe = pl.ds(sid * SROWS, SROWS)
      pltpu.sync_copy(zeros_r.at[stripe], acc_sh.at[stripe])

    if with_cnt:
      @pl.when(sid == NZS)
      def _zero_cnt():
        pltpu.sync_copy(zcnt_r, cnt_sh)

    plsc.subcore_barrier()

    def chunk_body(j, c):
      ivs = [idx_v[j, pl.ds(m * LANES, LANES)] for m in range(SUB)]
      dvs = [dst_v[j, pl.ds(m * LANES, LANES)] for m in range(SUB)]
      g = pltpu.async_copy(table_r.at[ivs[0]], bufs[0], sem)
      if with_cnt:
        cvs = [jnp.bitwise_and(dv, LANES - 1) for dv in dvs]
        rvs = [lax.shift_right_logical(dv, 4) for dv in dvs]
        og = pltpu.async_copy(oh_r.at[cvs[0]], ohbufs[0], sem2)
        osc = [None] * SUB
      sc = [None] * SUB
      for m in range(SUB):
        g.wait()
        sc[m] = pltpu.async_copy(bufs[m % 2], acc_sh.at[dvs[m]], sem_s,
                                 add=True)
        if m + 1 < SUB:
          if m >= 1:
            sc[m - 1].wait()
          g = pltpu.async_copy(table_r.at[ivs[m + 1]], bufs[(m + 1) % 2], sem)
        if with_cnt:
          og.wait()
          osc[m] = pltpu.async_copy(ohbufs[m % 2], cnt_sh.at[rvs[m]], sem_p,
                                    add=True)
          if m + 1 < SUB:
            if m >= 1:
              osc[m - 1].wait()
            og = pltpu.async_copy(oh_r.at[cvs[m + 1]], ohbufs[(m + 1) % 2],
                                  sem2)
      sc[SUB - 2].wait()
      sc[SUB - 1].wait()
      if with_cnt:
        osc[SUB - 2].wait()
        osc[SUB - 1].wait()
      return c

    lax.fori_loop(0, NCHUNKS, chunk_body, 0)
    plsc.subcore_barrier()

    @pl.when(sid < NZS)
    def _drain():
      stripe = pl.ds(sid * SROWS, SROWS)
      pltpu.sync_copy(acc_sh.at[stripe], part_r.at[cid, stripe])

    if with_cnt:
      @pl.when(sid == NZS)
      def _drain_cnt():
        pltpu.sync_copy(cnt_sh, cnt_r.at[cid])

  params = pltpu.CompilerParams(use_tc_tiling_on_sc=False)
  return pl.kernel(body, out_type=out_type, mesh=mesh, scratch_types=scratch,
                   compiler_params=params)


_edge_agg_l1 = _make_edge_agg(D, with_cnt=True)
_edge_agg_l2 = _make_edge_agg(T, with_cnt=False)


def _gather_h_body(ent_r, nid_r, h_r, idx_v, buf_v, sem):
  cid = lax.axis_index("c")
  sid = lax.axis_index("s")
  wid = sid * NC + cid
  pltpu.sync_copy(nid_r.at[wid], idx_v)
  for q in range(HNCH):
    pltpu.async_copy(ent_r.at[idx_v.at[q]], buf_v, sem).wait()
    pltpu.sync_copy(buf_v, h_r.at[pl.ds(wid * HPW + q * HCH, HCH)])


_gather_h = pl.kernel(
    _gather_h_body,
    out_type=[jax.ShapeDtypeStruct((NP, D), jnp.float32)],
    mesh=plsc.VectorSubcoreMesh(core_axis_name="c", subcore_axis_name="s",
                                num_cores=NC, num_subcores=NS),
    scratch_types=[
        pltpu.VMEM((HNCH, HCH), jnp.int32),
        pltpu.VMEM((HCH, D), jnp.float32),
        pltpu.SemaphoreType.DMA,
    ],
)


def _edge_idx_body(s_ref, e_ref, o_ref):
  o_ref[...] = e_ref[...] * NP + s_ref[...]


_edge_idx = pl.pallas_call(
    _edge_idx_body,
    grid=(NW,),
    in_specs=[
        pl.BlockSpec((1, NCHUNKS, CHUNK), lambda i: (i, 0, 0)),
        pl.BlockSpec((1, NCHUNKS, CHUNK), lambda i: (i, 0, 0)),
    ],
    out_specs=pl.BlockSpec((1, NCHUNKS, CHUNK), lambda i: (i, 0, 0)),
    out_shape=jax.ShapeDtypeStruct((NW, NCHUNKS, CHUNK), jnp.int32),
)


def _table1_body(h_ref, w_ref, o_ref):
  o_ref[0] = jnp.dot(h_ref[...], w_ref[0], preferred_element_type=jnp.float32)


_table1 = pl.pallas_call(
    _table1_body,
    grid=(R, NP // BNP),
    in_specs=[
        pl.BlockSpec((BNP, D), lambda r, i: (i, 0)),
        pl.BlockSpec((1, D, D), lambda r, i: (r, 0, 0)),
    ],
    out_specs=pl.BlockSpec((1, BNP, D), lambda r, i: (r, i, 0)),
    out_shape=jax.ShapeDtypeStruct((R, NP, D), jnp.float32),
)


def _layer2_body(p_ref, c_ref, w_ref, t_ref, inv_ref):
  cnt = c_ref[0] + c_ref[1]
  inv = 1.0 / jnp.maximum(cnt, 1.0)
  h1 = jnp.maximum((p_ref[0] + p_ref[1]) * inv, 0.0)
  t_ref[0] = jnp.dot(h1, w_ref[0], preferred_element_type=jnp.float32)
  inv_ref[...] = inv


_layer2 = pl.pallas_call(
    _layer2_body,
    grid=(R, NP // BNP),
    in_specs=[
        pl.BlockSpec((NC, BNP, D), lambda r, i: (0, i, 0)),
        pl.BlockSpec((NC, BNP, 1), lambda r, i: (0, i, 0)),
        pl.BlockSpec((1, D, T), lambda r, i: (r, 0, 0)),
    ],
    out_specs=[
        pl.BlockSpec((1, BNP, T), lambda r, i: (r, i, 0)),
        pl.BlockSpec((BNP, 1), lambda r, i: (i, 0)),
    ],
    out_shape=[
        jax.ShapeDtypeStruct((R, NP, T), jnp.float32),
        jax.ShapeDtypeStruct((NP, 1), jnp.float32),
    ],
)


def _final_body(p_ref, inv_ref, o_ref):
  o_ref[...] = (p_ref[0] + p_ref[1]) * inv_ref[...]


_final = pl.pallas_call(
    _final_body,
    grid=(N // BN,),
    in_specs=[
        pl.BlockSpec((NC, BN, T), lambda i: (0, i, 0)),
        pl.BlockSpec((BN, 1), lambda i: (i, 0)),
    ],
    out_specs=pl.BlockSpec((BN, T), lambda i: (i, 0)),
    out_shape=jax.ShapeDtypeStruct((N, T), jnp.float32),
)


def kernel(node_ids, edge_index, etype, entity, W1, W2):
  node_ids = node_ids.astype(jnp.int32)
  src = edge_index[0].astype(jnp.int32).reshape(NW, NCHUNKS, CHUNK)
  dst = edge_index[1].astype(jnp.int32).reshape(NW, NCHUNKS, CHUNK)
  et = etype.astype(jnp.int32).reshape(NW, NCHUNKS, CHUNK)
  entity = entity.astype(jnp.float32)

  zeros_d = jnp.zeros((N, D), jnp.float32)
  zeros_t = jnp.zeros((N, T), jnp.float32)
  zcnt = jnp.zeros((CROWS, CW), jnp.float32)
  onehot = jnp.eye(CW, dtype=jnp.float32)

  nid_pad = jnp.concatenate(
      [node_ids, jnp.zeros((NP - N,), jnp.int32)]).reshape(NW, HNCH, HCH)
  [h] = _gather_h(entity, nid_pad)
  idx3 = _edge_idx(src, et)
  table1 = _table1(h, W1.astype(jnp.float32)).reshape(R * NP, D)
  part1, cnt = _edge_agg_l1(table1, idx3, dst, zeros_d, zcnt, onehot)
  cntn = cnt.reshape(NC, NP, 1)
  table2, inv = _layer2(part1, cntn, W2.astype(jnp.float32))
  [part2] = _edge_agg_l2(table2.reshape(R * NP, T), idx3, dst, zeros_t)
  out = _final(part2, inv)
  return out[None, :, :], jnp.ones((1, N), out.dtype)

# --- scband reference (transcript-rebuilt; emitter-appended) ---
"""Pipeline reference for scband-ponder-relational-graph-conv-model-36988258353759 (READ-ONLY COPY).

The authoritative reference and input builder live on the scoring server;
editing this copy changes nothing except your own understanding.
"""

import jax, jax.numpy as jnp
import numpy as np

N_NODES = 10000
N_EDGES = 320000
D = 128
NUM_RELS_TOTAL = 8  # 2 * num_rels
NUM_TYPES = 64


def setup_inputs(seed: int = 0) -> dict:
    key = jax.random.key(seed)
    k1, k2, k3, k4, k5, k6 = jax.random.split(key, 6)
    node_ids = jax.random.randint(k1, (N_NODES,), 0, N_NODES)
    edge_index = jax.random.randint(k2, (2, N_EDGES), 0, N_NODES)
    etype = jax.random.randint(k3, (N_EDGES,), 0, NUM_RELS_TOTAL)
    # learned parameters
    entity = jax.random.normal(k4, (N_NODES, D), dtype=jnp.float32) * 0.02
    W1 = jax.random.normal(k5, (NUM_RELS_TOTAL, D, D), dtype=jnp.float32) * (1.0 / np.sqrt(D))
    W2 = jax.random.normal(k6, (NUM_RELS_TOTAL, D, NUM_TYPES), dtype=jnp.float32) * (1.0 / np.sqrt(D))
    return {"node_ids": node_ids, "edge_index": edge_index, "etype": etype,
            "entity": entity, "W1": W1, "W2": W2}


def _rgcn_layer(h, src, dst, etype, W, n_dst, relu):
    # msg_e = h[src_e] @ W[etype_e]  (computed as per-node-per-relation transform
    # followed by a (node, relation) gather -- mathematically identical to the
    # per-edge bmm in the torch module, without materializing [E, in, out]).
    hw = jnp.einsum('ni,rio->nro', h, W)          # [N, R, out]
    msg = hw[src, etype]                          # [E, out] gather
    s = jax.ops.segment_sum(msg, dst, num_segments=n_dst)
    cnt = jax.ops.segment_sum(jnp.ones((msg.shape[0],), dtype=msg.dtype), dst,
                              num_segments=n_dst)
    out = s / jnp.maximum(cnt, 1.0)[:, None]      # fn.mean; isolated dst -> 0
    if relu:
        out = jax.nn.relu(out)
    # dropout is a no-op in eval mode
    return out


def reference(node_ids, edge_index, etype, entity, W1, W2):
    n = node_ids.shape[0]
    src = edge_index[0]
    dst = edge_index[1]
    # h = index_select(entity, 0, blocks[0].srcdata['id'])
    h = jnp.take(entity, node_ids, axis=0)
    h = _rgcn_layer(h, src, dst, etype, W1, n, relu=True)
    h = _rgcn_layer(h, src, dst, etype, W2, n, relu=False)
    # max_steps == 1: lambda_n = 1, p_n = 1, all nodes halt after step 1;
    # the second graph pass is dead code w.r.t. the returned (y, p).
    y = h[None, :, :]                                  # torch.stack(y), len 1
    p = jnp.ones((1, n), dtype=h.dtype)                # torch.stack(p), len 1
    return (y, p)

if __name__ == "__main__":
    import jax
    _d = setup_inputs()
    print(jax.jit(kernel)(*tuple(_d.values())))

</pallas_src>

<mosaic_0001>
#map = affine_map<(d0, d1) -> (0, 0)>
#map1 = affine_map<(d0, d1) -> (0, 0, 0)>
module attributes {stable_mosaic.version = 14 : i64} {
  func.func @body(%arg0: i32, %arg1: i32, %arg2: memref<81920x64xf32, #tpu.memory_space<hbm>>, %arg3: memref<32x125x80xi32, #tpu.memory_space<hbm>>, %arg4: memref<32x125x80xi32, #tpu.memory_space<hbm>>, %arg5: memref<10000x64xf32, #tpu.memory_space<hbm>>, %arg6: memref<2x10240x64xf32, #tpu.memory_space<hbm>>, %arg7: memref<125x80xi32, #tpu.memory_space<vmem>>, %arg8: memref<125x80xi32, #tpu.memory_space<vmem>>, %arg9: memref<16x64xf32, #tpu.memory_space<vmem>>, %arg10: memref<16x64xf32, #tpu.memory_space<vmem>>, %arg11: memref<10000x64xf32, #tpu.memory_space<vmem_shared>>, %arg12: memref<!tpu.dma_semaphore, #tpu.memory_space<semaphore_mem>>, %arg13: memref<!tpu.dma_semaphore, #tpu.memory_space<semaphore_mem>>) attributes {dimension_semantics = [#tpu.dimension_semantics<core_parallel>, #tpu.dimension_semantics<subcore_parallel>], iteration_bounds = array<i64: 2, 16>, scalar_prefetch = 0 : i64, scratch_operands = 7 : i64, tpu.core_type = #tpu.core_type<sc_vector_subcore>, window_params = [{transform_indices = #map}, {transform_indices = #map1}, {transform_indices = #map1}, {transform_indices = #map}, {transform_indices = #map1}]} {
    %mul3A = arith.constant 2 : i32
    %mul3A_0 = arith.muli %arg1, %mul3A : i32
    %add3A = arith.addi %mul3A_0, %arg0 : i32
    "tpu.region"() ({
      %run_scoped3A = tpu.sem_alloc : memref<!tpu.dma_semaphore, #tpu.memory_space<semaphore_mem>>
      %dma_start3A = arith.constant 0 : i32
      %dma_start3A_14 = arith.constant 0 : i32
      %dma_start3A_15 = tpu.memref_slice %arg3[%add3A, %dma_start3A, %dma_start3A_14] : memref<32x125x80xi32, #tpu.memory_space<hbm>> -> memref<1x125x80xi32, #tpu.memory_space<hbm>>
      %dma_start3A_16 = tpu.memref_squeeze %dma_start3A_15 : memref<1x125x80xi32, #tpu.memory_space<hbm>> -> memref<125x80xi32, #tpu.memory_space<hbm>>
      %dma_start3A_17 = arith.constant 0 : i32
      %dma_start3A_18 = arith.constant 0 : i32
      %dma_start3A_19 = tpu.memref_slice %arg3[%add3A, %dma_start3A_17, %dma_start3A_18] : memref<32x125x80xi32, #tpu.memory_space<hbm>> -> memref<1x125x80xi32, #tpu.memory_space<hbm>>
      %dma_start3A_20 = tpu.memref_squeeze %dma_start3A_19 : memref<1x125x80xi32, #tpu.memory_space<hbm>> -> memref<125x80xi32, #tpu.memory_space<hbm>>
      tpu.enqueue_dma source(%dma_start3A_20 : memref<125x80xi32, #tpu.memory_space<hbm>>) target(%arg7 : memref<125x80xi32, #tpu.memory_space<vmem>>) target_semaphore(%run_scoped3A : memref<!tpu.dma_semaphore, #tpu.memory_space<semaphore_mem>>)
      %dma_wait3A = arith.constant 0 : i32
      %dma_wait3A_21 = arith.constant 0 : i32
      %dma_wait3A_22 = tpu.memref_slice %arg3[%add3A, %dma_wait3A, %dma_wait3A_21] : memref<32x125x80xi32, #tpu.memory_space<hbm>> -> memref<1x125x80xi32, #tpu.memory_space<hbm>>
      %dma_wait3A_23 = tpu.memref_squeeze %dma_wait3A_22 : memref<1x125x80xi32, #tpu.memory_space<hbm>> -> memref<125x80xi32, #tpu.memory_space<hbm>>
      %dma_wait3A_24 = arith.constant 0 : i32
      %dma_wait3A_25 = arith.constant 0 : i32
      %dma_wait3A_26 = tpu.memref_slice %arg3[%add3A, %dma_wait3A_24, %dma_wait3A_25] : memref<32x125x80xi32, #tpu.memory_space<hbm>> -> memref<1x125x80xi32, #tpu.memory_space<hbm>>
      %dma_wait3A_27 = tpu.memref_squeeze %dma_wait3A_26 : memref<1x125x80xi32, #tpu.memory_space<hbm>> -> memref<125x80xi32, #tpu.memory_space<hbm>>
      tpu.wait_dma2 semaphore(%run_scoped3A : memref<!tpu.dma_semaphore, #tpu.memory_space<semaphore_mem>>) src(%dma_wait3A_27 : memref<125x80xi32, #tpu.memory_space<hbm>>) dst(%arg7 : memref<125x80xi32, #tpu.memory_space<vmem>>)
      tpu.yield
    }) : () -> ()
    "tpu.region"() ({
      %run_scoped3A = tpu.sem_alloc : memref<!tpu.dma_semaphore, #tpu.memory_space<semaphore_mem>>
      %dma_start3A = arith.constant 0 : i32
      %dma_start3A_14 = arith.constant 0 : i32
      %dma_start3A_15 = tpu.memref_slice %arg4[%add3A, %dma_start3A, %dma_start3A_14] : memref<32x125x80xi32, #tpu.memory_space<hbm>> -> memref<1x125x80xi32, #tpu.memory_space<hbm>>
      %dma_start3A_16 = tpu.memref_squeeze %dma_start3A_15 : memref<1x125x80xi32, #tpu.memory_space<hbm>> -> memref<125x80xi32, #tpu.memory_space<hbm>>
      %dma_start3A_17 = arith.constant 0 : i32
      %dma_start3A_18 = arith.constant 0 : i32
      %dma_start3A_19 = tpu.memref_slice %arg4[%add3A, %dma_start3A_17, %dma_start3A_18] : memref<32x125x80xi32, #tpu.memory_space<hbm>> -> memref<1x125x80xi32, #tpu.memory_space<hbm>>
      %dma_start3A_20 = tpu.memref_squeeze %dma_start3A_19 : memref<1x125x80xi32, #tpu.memory_space<hbm>> -> memref<125x80xi32, #tpu.memory_space<hbm>>
      tpu.enqueue_dma source(%dma_start3A_20 : memref<125x80xi32, #tpu.memory_space<hbm>>) target(%arg8 : memref<125x80xi32, #tpu.memory_space<vmem>>) target_semaphore(%run_scoped3A : memref<!tpu.dma_semaphore, #tpu.memory_space<semaphore_mem>>)
      %dma_wait3A = arith.constant 0 : i32
      %dma_wait3A_21 = arith.constant 0 : i32
      %dma_wait3A_22 = tpu.memref_slice %arg4[%add3A, %dma_wait3A, %dma_wait3A_21] : memref<32x125x80xi32, #tpu.memory_space<hbm>> -> memref<1x125x80xi32, #tpu.memory_space<hbm>>
      %dma_wait3A_23 = tpu.memref_squeeze %dma_wait3A_22 : memref<1x125x80xi32, #tpu.memory_space<hbm>> -> memref<125x80xi32, #tpu.memory_space<hbm>>
      %dma_wait3A_24 = arith.constant 0 : i32
      %dma_wait3A_25 = arith.constant 0 : i32
      %dma_wait3A_26 = tpu.memref_slice %arg4[%add3A, %dma_wait3A_24, %dma_wait3A_25] : memref<32x125x80xi32, #tpu.memory_space<hbm>> -> memref<1x125x80xi32, #tpu.memory_space<hbm>>
      %dma_wait3A_27 = tpu.memref_squeeze %dma_wait3A_26 : memref<1x125x80xi32, #tpu.memory_space<hbm>> -> memref<125x80xi32, #tpu.memory_space<hbm>>
      tpu.wait_dma2 semaphore(%run_scoped3A : memref<!tpu.dma_semaphore, #tpu.memory_space<semaphore_mem>>) src(%dma_wait3A_27 : memref<125x80xi32, #tpu.memory_space<hbm>>) dst(%arg8 : memref<125x80xi32, #tpu.memory_space<vmem>>)
      tpu.yield
    }) : () -> ()
    %lt3A = arith.constant 10 : i32
    %lt3A_1 = arith.cmpi slt, %arg1, %lt3A : i32
    %convert_element_type3A = arith.extui %lt3A_1 : i1 to i32
    %cond3A = arith.constant 0 : i32
    %cond3A_2 = arith.cmpi ne, %convert_element_type3A, %cond3A : i32
    scf.if %cond3A_2 {
      %mul3A_14 = arith.constant 1000 : i32
      %mul3A_15 = arith.muli %arg1, %mul3A_14 : i32
      "tpu.region"() ({
        %run_scoped3A = tpu.sem_alloc : memref<!tpu.dma_semaphore, #tpu.memory_space<semaphore_mem>>
        %dma_start3A = arith.constant 0 : i32
        %dma_start3A_16 = tpu.memref_slice %arg11[%mul3A_15, %dma_start3A] : memref<10000x64xf32, #tpu.memory_space<vmem_shared>> -> memref<1000x64xf32, #tpu.memory_space<vmem_shared>>
        %dma_start3A_17 = arith.constant 0 : i32
        %dma_start3A_18 = tpu.memref_slice %arg5[%mul3A_15, %dma_start3A_17] : memref<10000x64xf32, #tpu.memory_space<hbm>> -> memref<1000x64xf32, #tpu.memory_space<hbm>>
        tpu.enqueue_dma source(%dma_start3A_18 : memref<1000x64xf32, #tpu.memory_space<hbm>>) target(%dma_start3A_16 : memref<1000x64xf32, #tpu.memory_space<vmem_shared>>) target_semaphore(%run_scoped3A : memref<!tpu.dma_semaphore, #tpu.memory_space<semaphore_mem>>)
        %dma_wait3A = arith.constant 0 : i32
        %dma_wait3A_19 = tpu.memref_slice %arg11[%mul3A_15, %dma_wait3A] : memref<10000x64xf32, #tpu.memory_space<vmem_shared>> -> memref<1000x64xf32, #tpu.memory_space<vmem_shared>>
        %dma_wait3A_20 = arith.constant 0 : i32
        %dma_wait3A_21 = tpu.memref_slice %arg5[%mul3A_15, %dma_wait3A_20] : memref<10000x64xf32, #tpu.memory_space<hbm>> -> memref<1000x64xf32, #tpu.memory_space<hbm>>
        tpu.wait_dma2 semaphore(%run_scoped3A : memref<!tpu.dma_semaphore, #tpu.memory_space<semaphore_mem>>) src(%dma_wait3A_21 : memref<1000x64xf32, #tpu.memory_space<hbm>>) dst(%dma_wait3A_19 : memref<1000x64xf32, #tpu.memory_space<vmem_shared>>)
        tpu.yield
      }) : () -> ()
    } else {
    }
    %barrier3A = arith.constant 0 : index
    tpu.barrier barrier_id(%barrier3A)
    %scan3A = arith.constant 0 : i32
    %scan3A_3 = arith.constant 0 : i32
    %scan3A_4 = arith.constant 125 : i32
    %scan3A_5 = arith.addi %scan3A_3, %scan3A_4 : i32
    %scan3A_6 = arith.constant 1 : i32
    scf.for %scan3A_14 = %scan3A_3 to %scan3A_5 step %scan3A_6  : i32 {
      %get3A = arith.index_cast %scan3A_14 : i32 to index
      %get3A_15 = arith.constant 0 : index
      %get3A_16 = tpu.vector_load %arg7[%get3A, %get3A_15] {strides = array<i32>} : memref<125x80xi32, #tpu.memory_space<vmem>>, vector<1x16xi32>,
      %get3A_17 = vector.shape_cast %get3A_16 : vector<1x16xi32> to vector<16xi32>
      %get3A_18 = arith.index_cast %scan3A_14 : i32 to index
      %get3A_19 = arith.constant 16 : index
      %get3A_20 = tpu.vector_load %arg7[%get3A_18, %get3A_19] {strides = array<i32>} : memref<125x80xi32, #tpu.memory_space<vmem>>, vector<1x16xi32>,
      %get3A_21 = vector.shape_cast %get3A_20 : vector<1x16xi32> to vector<16xi32>
      %get3A_22 = arith.index_cast %scan3A_14 : i32 to index
      %get3A_23 = arith.constant 32 : index
      %get3A_24 = tpu.vector_load %arg7[%get3A_22, %get3A_23] {strides = array<i32>} : memref<125x80xi32, #tpu.memory_space<vmem>>, vector<1x16xi32>,
      %get3A_25 = vector.shape_cast %get3A_24 : vector<1x16xi32> to vector<16xi32>
      %get3A_26 = arith.index_cast %scan3A_14 : i32 to index
      %get3A_27 = arith.constant 48 : index
      %get3A_28 = tpu.vector_load %arg7[%get3A_26, %get3A_27] {strides = array<i32>} : memref<125x80xi32, #tpu.memory_space<vmem>>, vector<1x16xi32>,
      %get3A_29 = vector.shape_cast %get3A_28 : vector<1x16xi32> to vector<16xi32>
      %get3A_30 = arith.index_cast %scan3A_14 : i32 to index
      %get3A_31 = arith.constant 64 : index
      %get3A_32 = tpu.vector_load %arg7[%get3A_30, %get3A_31] {strides = array<i32>} : memref<125x80xi32, #tpu.memory_space<vmem>>, vector<1x16xi32>,
      %get3A_33 = vector.shape_cast %get3A_32 : vector<1x16xi32> to vector<16xi32>
      %get3A_34 = arith.index_cast %scan3A_14 : i32 to index
      %get3A_35 = arith.constant 0 : index
      %get3A_36 = tpu.vector_load %arg8[%get3A_34, %get3A_35] {strides = array<i32>} : memref<125x80xi32, #tpu.memory_space<vmem>>, vector<1x16xi32>,
      %get3A_37 = vector.shape_cast %get3A_36 : vector<1x16xi32> to vector<16xi32>
      %get3A_38 = arith.index_cast %scan3A_14 : i32 to index
      %get3A_39 = arith.constant 16 : index
      %get3A_40 = tpu.vector_load %arg8[%get3A_38, %get3A_39] {strides = array<i32>} : memref<125x80xi32, #tpu.memory_space<vmem>>, vector<1x16xi32>,
      %get3A_41 = vector.shape_cast %get3A_40 : vector<1x16xi32> to vector<16xi32>
      %get3A_42 = arith.index_cast %scan3A_14 : i32 to index
      %get3A_43 = arith.constant 32 : index
      %get3A_44 = tpu.vector_load %arg8[%get3A_42, %get3A_43] {strides = array<i32>} : memref<125x80xi32, #tpu.memory_space<vmem>>, vector<1x16xi32>,
      %get3A_45 = vector.shape_cast %get3A_44 : vector<1x16xi32> to vector<16xi32>
      %get3A_46 = arith.index_cast %scan3A_14 : i32 to index
      %get3A_47 = arith.constant 48 : index
      %get3A_48 = tpu.vector_load %arg8[%get3A_46, %get3A_47] {strides = array<i32>} : memref<125x80xi32, #tpu.memory_space<vmem>>, vector<1x16xi32>,
      %get3A_49 = vector.shape_cast %get3A_48 : vector<1x16xi32> to vector<16xi32>
      %get3A_50 = arith.index_cast %scan3A_14 : i32 to index
      %get3A_51 = arith.constant 64 : index
      %get3A_52 = tpu.vector_load %arg8[%get3A_50, %get3A_51] {strides = array<i32>} : memref<125x80xi32, #tpu.memory_space<vmem>>, vector<1x16xi32>,
      %get3A_53 = vector.shape_cast %get3A_52 : vector<1x16xi32> to vector<16xi32>
      %dma_start3A = arith.constant 0 : i32
      %dma_start3A_54 = arith.constant 0 : i32
      %dma_start3A_55 = tpu.memref_slice %arg2[%dma_start3A, %dma_start3A_54] : memref<81920x64xf32, #tpu.memory_space<hbm>> -> memref<81920x64xf32, #tpu.memory_space<hbm>>
      tpu.enqueue_indirect_dma source(%dma_start3A_55 : memref<81920x64xf32, #tpu.memory_space<hbm>>) target(%arg9 : memref<16x64xf32, #tpu.memory_space<vmem>>) offsets(%get3A_17 : vector<16xi32>) semaphore(%arg12 : memref<!tpu.dma_semaphore, #tpu.memory_space<semaphore_mem>>)
      %dma_wait3A = arith.constant 0 : i32
      %dma_wait3A_56 = arith.constant 0 : i32
      %dma_wait3A_57 = tpu.memref_slice %arg2[%dma_wait3A, %dma_wait3A_56] : memref<81920x64xf32, #tpu.memory_space<hbm>> -> memref<81920x64xf32, #tpu.memory_space<hbm>>
      tpu.wait_indirect_dma semaphore(%arg12 : memref<!tpu.dma_semaphore, #tpu.memory_space<semaphore_mem>>) src(%dma_wait3A_57 : memref<81920x64xf32, #tpu.memory_space<hbm>>) dst(%arg9 : memref<16x64xf32, #tpu.memory_space<vmem>>)
      %dma_start3A_58 = arith.constant 0 : i32
      %dma_start3A_59 = arith.constant 0 : i32
      %dma_start3A_60 = tpu.memref_slice %arg11[%dma_start3A_58, %dma_start3A_59] : memref<10000x64xf32, #tpu.memory_space<vmem_shared>> -> memref<10000x64xf32, #tpu.memory_space<vmem_shared>>
      tpu.enqueue_indirect_dma source(%arg9 : memref<16x64xf32, #tpu.memory_space<vmem>>) target(%dma_start3A_60 : memref<10000x64xf32, #tpu.memory_space<vmem_shared>>) offsets(%get3A_37 : vector<16xi32>) semaphore(%arg13 : memref<!tpu.dma_semaphore, #tpu.memory_space<semaphore_mem>>) {add = true}
      %dma_start3A_61 = arith.constant 0 : i32
      %dma_start3A_62 = arith.constant 0 : i32
      %dma_start3A_63 = tpu.memref_slice %arg2[%dma_start3A_61, %dma_start3A_62] : memref<81920x64xf32, #tpu.memory_space<hbm>> -> memref<81920x64xf32, #tpu.memory_space<hbm>>
      tpu.enqueue_indirect_dma source(%dma_start3A_63 : memref<81920x64xf32, #tpu.memory_space<hbm>>) target(%arg10 : memref<16x64xf32, #tpu.memory_space<vmem>>) offsets(%get3A_21 : vector<16xi32>) semaphore(%arg12 : memref<!tpu.dma_semaphore, #tpu.memory_space<semaphore_mem>>)
      %dma_wait3A_64 = arith.constant 0 : i32
      %dma_wait3A_65 = arith.constant 0 : i32
      %dma_wait3A_66 = tpu.memref_slice %arg2[%dma_wait3A_64, %dma_wait3A_65] : memref<81920x64xf32, #tpu.memory_space<hbm>> -> memref<81920x64xf32, #tpu.memory_space<hbm>>
      tpu.wait_indirect_dma semaphore(%arg12 : memref<!tpu.dma_semaphore, #tpu.memory_space<semaphore_mem>>) src(%dma_wait3A_66 : memref<81920x64xf32, #tpu.memory_space<hbm>>) dst(%arg10 : memref<16x64xf32, #tpu.memory_space<vmem>>)
      %dma_start3A_67 = arith.constant 0 : i32
      %dma_start3A_68 = arith.constant 0 : i32
      %dma_start3A_69 = tpu.memref_slice %arg11[%dma_start3A_67, %dma_start3A_68] : memref<10000x64xf32, #tpu.memory_space<vmem_shared>> -> memref<10000x64xf32, #tpu.memory_space<vmem_shared>>
      tpu.enqueue_indirect_dma source(%arg10 : memref<16x64xf32, #tpu.memory_space<vmem>>) target(%dma_start3A_69 : memref<10000x64xf32, #tpu.memory_space<vmem_shared>>) offsets(%get3A_41 : vector<16xi32>) semaphore(%arg13 : memref<!tpu.dma_semaphore, #tpu.memory_space<semaphore_mem>>) {add = true}
      %dma_wait3A_70 = arith.constant 0 : i32
      %dma_wait3A_71 = arith.constant 0 : i32
      %dma_wait3A_72 = tpu.memref_slice %arg11[%dma_wait3A_70, %dma_wait3A_71] : memref<10000x64xf32, #tpu.memory_space<vmem_shared>> -> memref<10000x64xf32, #tpu.memory_space<vmem_shared>>
      tpu.wait_indirect_dma semaphore(%arg13 : memref<!tpu.dma_semaphore, #tpu.memory_space<semaphore_mem>>) src(%arg9 : memref<16x64xf32, #tpu.memory_space<vmem>>) dst(%dma_wait3A_72 : memref<10000x64xf32, #tpu.memory_space<vmem_shared>>)
      %dma_start3A_73 = arith.constant 0 : i32
      %dma_start3A_74 = arith.constant 0 : i32
      %dma_start3A_75 = tpu.memref_slice %arg2[%dma_start3A_73, %dma_start3A_74] : memref<81920x64xf32, #tpu.memory_space<hbm>> -> memref<81920x64xf32, #tpu.memory_space<hbm>>
      tpu.enqueue_indirect_dma source(%dma_start3A_75 : memref<81920x64xf32, #tpu.memory_space<hbm>>) target(%arg9 : memref<16x64xf32, #tpu.memory_space<vmem>>) offsets(%get3A_25 : vector<16xi32>) semaphore(%arg12 : memref<!tpu.dma_semaphore, #tpu.memory_space<semaphore_mem>>)
      %dma_wait3A_76 = arith.constant 0 : i32
      %dma_wait3A_77 = arith.constant 0 : i32
      %dma_wait3A_78 = tpu.memref_slice %arg2[%dma_wait3A_76, %dma_wait3A_77] : memref<81920x64xf32, #tpu.memory_space<hbm>> -> memref<81920x64xf32, #tpu.memory_space<hbm>>
      tpu.wait_indirect_dma semaphore(%arg12 : memref<!tpu.dma_semaphore, #tpu.memory_space<semaphore_mem>>) src(%dma_wait3A_78 : memref<81920x64xf32, #tpu.memory_space<hbm>>) dst(%arg9 : memref<16x64xf32, #tpu.memory_space<vmem>>)
      %dma_start3A_79 = arith.constant 0 : i32
      %dma_start3A_80 = arith.constant 0 : i32
      %dma_start3A_81 = tpu.memref_slice %arg11[%dma_start3A_79, %dma_start3A_80] : memref<10000x64xf32, #tpu.memory_space<vmem_shared>> -> memref<10000x64xf32, #tpu.memory_space<vmem_shared>>
      tpu.enqueue_indirect_dma source(%arg9 : memref<16x64xf32, #tpu.memory_space<vmem>>) target(%dma_start3A_81 : memref<10000x64xf32, #tpu.memory_space<vmem_shared>>) offsets(%get3A_45 : vector<16xi32>) semaphore(%arg13 : memref<!tpu.dma_semaphore, #tpu.memory_space<semaphore_mem>>) {add = true}
      %dma_wait3A_82 = arith.constant 0 : i32
      %dma_wait3A_83 = arith.constant 0 : i32
      %dma_wait3A_84 = tpu.memref_slice %arg11[%dma_wait3A_82, %dma_wait3A_83] : memref<10000x64xf32, #tpu.memory_space<vmem_shared>> -> memref<10000x64xf32, #tpu.memory_space<vmem_shared>>
      tpu.wait_indirect_dma semaphore(%arg13 : memref<!tpu.dma_semaphore, #tpu.memory_space<semaphore_mem>>) src(%arg10 : memref<16x64xf32, #tpu.memory_space<vmem>>) dst(%dma_wait3A_84 : memref<10000x64xf32, #tpu.memory_space<vmem_shared>>)
      %dma_start3A_85 = arith.constant 0 : i32
      %dma_start3A_86 = arith.constant 0 : i32
      %dma_start3A_87 = tpu.memref_slice %arg2[%dma_start3A_85, %dma_start3A_86] : memref<81920x64xf32, #tpu.memory_space<hbm>> -> memref<81920x64xf32, #tpu.memory_space<hbm>>
      tpu.enqueue_indirect_dma source(%dma_start3A_87 : memref<81920x64xf32, #tpu.memory_space<hbm>>) target(%arg10 : memref<16x64xf32, #tpu.memory_space<vmem>>) offsets(%get3A_29 : vector<16xi32>) semaphore(%arg12 : memref<!tpu.dma_semaphore, #tpu.memory_space<semaphore_mem>>)
      %dma_wait3A_88 = arith.constant 0 : i32
      %dma_wait3A_89 = arith.constant 0 : i32
      %dma_wait3A_90 = tpu.memref_slice %arg2[%dma_wait3A_88, %dma_wait3A_89] : memref<81920x64xf32, #tpu.memory_space<hbm>> -> memref<81920x64xf32, #tpu.memory_space<hbm>>
      tpu.wait_indirect_dma semaphore(%arg12 : memref<!tpu.dma_semaphore, #tpu.memory_space<semaphore_mem>>) src(%dma_wait3A_90 : memref<81920x64xf32, #tpu.memory_space<hbm>>) dst(%arg10 : memref<16x64xf32, #tpu.memory_space<vmem>>)
      %dma_start3A_91 = arith.constant 0 : i32
      %dma_start3A_92 = arith.constant 0 : i32
      %dma_start3A_93 = tpu.memref_slice %arg11[%dma_start3A_91, %dma_start3A_92] : memref<10000x64xf32, #tpu.memory_space<vmem_shared>> -> memref<10000x64xf32, #tpu.memory_space<vmem_shared>>
      tpu.enqueue_indirect_dma source(%arg10 : memref<16x64xf32, #tpu.memory_space<vmem>>) target(%dma_start3A_93 : memref<10000x64xf32, #tpu.memory_space<vmem_shared>>) offsets(%get3A_49 : vector<16xi32>) semaphore(%arg13 : memref<!tpu.dma_semaphore, #tpu.memory_space<semaphore_mem>>) {add = true}
      %dma_wait3A_94 = arith.constant 0 : i32
      %dma_wait3A_95 = arith.constant 0 : i32
      %dma_wait3A_96 = tpu.memref_slice %arg11[%dma_wait3A_94, %dma_wait3A_95] : memref<10000x64xf32, #tpu.memory_space<vmem_shared>> -> memref<10000x64xf32, #tpu.memory_space<vmem_shared>>
      tpu.wait_indirect_dma semaphore(%arg13 : memref<!tpu.dma_semaphore, #tpu.memory_space<semaphore_mem>>) src(%arg9 : memref<16x64xf32, #tpu.memory_space<vmem>>) dst(%dma_wait3A_96 : memref<10000x64xf32, #tpu.memory_space<vmem_shared>>)
      %dma_start3A_97 = arith.constant 0 : i32
      %dma_start3A_98 = arith.constant 0 : i32
      %dma_start3A_99 = tpu.memref_slice %arg2[%dma_start3A_97, %dma_start3A_98] : memref<81920x64xf32, #tpu.memory_space<hbm>> -> memref<81920x64xf32, #tpu.memory_space<hbm>>
      tpu.enqueue_indirect_dma source(%dma_start3A_99 : memref<81920x64xf32, #tpu.memory_space<hbm>>) target(%arg9 : memref<16x64xf32, #tpu.memory_space<vmem>>) offsets(%get3A_33 : vector<16xi32>) semaphore(%arg12 : memref<!tpu.dma_semaphore, #tpu.memory_space<semaphore_mem>>)
      %dma_wait3A_100 = arith.constant 0 : i32
      %dma_wait3A_101 = arith.constant 0 : i32
      %dma_wait3A_102 = tpu.memref_slice %arg2[%dma_wait3A_100, %dma_wait3A_101] : memref<81920x64xf32, #tpu.memory_space<hbm>> -> memref<81920x64xf32, #tpu.memory_space<hbm>>
      tpu.wait_indirect_dma semaphore(%arg12 : memref<!tpu.dma_semaphore, #tpu.memory_space<semaphore_mem>>) src(%dma_wait3A_102 : memref<81920x64xf32, #tpu.memory_space<hbm>>) dst(%arg9 : memref<16x64xf32, #tpu.memory_space<vmem>>)
      %dma_start3A_103 = arith.constant 0 : i32
      %dma_start3A_104 = arith.constant 0 : i32
      %dma_start3A_105 = tpu.memref_slice %arg11[%dma_start3A_103, %dma_start3A_104] : memref<10000x64xf32, #tpu.memory_space<vmem_shared>> -> memref<10000x64xf32, #tpu.memory_space<vmem_shared>>
      tpu.enqueue_indirect_dma source(%arg9 : memref<16x64xf32, #tpu.memory_space<vmem>>) target(%dma_start3A_105 : memref<10000x64xf32, #tpu.memory_space<vmem_shared>>) offsets(%get3A_53 : vector<16xi32>) semaphore(%arg13 : memref<!tpu.dma_semaphore, #tpu.memory_space<semaphore_mem>>) {add = true}
      %dma_wait3A_106 = arith.constant 0 : i32
      %dma_wait3A_107 = arith.constant 0 : i32
      %dma_wait3A_108 = tpu.memref_slice %arg11[%dma_wait3A_106, %dma_wait3A_107] : memref<10000x64xf32, #tpu.memory_space<vmem_shared>> -> memref<10000x64xf32, #tpu.memory_space<vmem_shared>>
      tpu.wait_indirect_dma semaphore(%arg13 : memref<!tpu.dma_semaphore, #tpu.memory_space<semaphore_mem>>) src(%arg10 : memref<16x64xf32, #tpu.memory_space<vmem>>) dst(%dma_wait3A_108 : memref<10000x64xf32, #tpu.memory_space<vmem_shared>>)
      %dma_wait3A_109 = arith.constant 0 : i32
      %dma_wait3A_110 = arith.constant 0 : i32
      %dma_wait3A_111 = tpu.memref_slice %arg11[%dma_wait3A_109, %dma_wait3A_110] : memref<10000x64xf32, #tpu.memory_space<vmem_shared>> -> memref<10000x64xf32, #tpu.memory_space<vmem_shared>>
      tpu.wait_indirect_dma semaphore(%arg13 : memref<!tpu.dma_semaphore, #tpu.memory_space<semaphore_mem>>) src(%arg9 : memref<16x64xf32, #tpu.memory_space<vmem>>) dst(%dma_wait3A_111 : memref<10000x64xf32, #tpu.memory_space<vmem_shared>>)
    }
    %scan3A_7 = arith.constant 125 : i32
    %barrier3A_8 = arith.constant 0 : index
    tpu.barrier barrier_id(%barrier3A_8)
    %lt3A_9 = arith.constant 10 : i32
    %lt3A_10 = arith.cmpi slt, %arg1, %lt3A_9 : i32
    %convert_element_type3A_11 = arith.extui %lt3A_10 : i1 to i32
    %cond3A_12 = arith.constant 0 : i32
    %cond3A_13 = arith.cmpi ne, %convert_element_type3A_11, %cond3A_12 : i32
    scf.if %cond3A_13 {
      %mul3A_14 = arith.constant 1000 : i32
      %mul3A_15 = arith.muli %arg1, %mul3A_14 : i32
      "tpu.region"() ({
        %run_scoped3A = tpu.sem_alloc : memref<!tpu.dma_semaphore, #tpu.memory_space<semaphore_mem>>
        %dma_start3A = arith.constant 0 : i32
        %dma_start3A_16 = tpu.memref_slice %arg6[%arg0, %mul3A_15, %dma_start3A] : memref<2x10240x64xf32, #tpu.memory_space<hbm>> -> memref<1x1000x64xf32, #tpu.memory_space<hbm>>
        %dma_start3A_17 = tpu.memref_squeeze %dma_start3A_16 : memref<1x1000x64xf32, #tpu.memory_space<hbm>> -> memref<1000x64xf32, #tpu.memory_space<hbm>>
        %dma_start3A_18 = arith.constant 0 : i32
        %dma_start3A_19 = tpu.memref_slice %arg11[%mul3A_15, %dma_start3A_18] : memref<10000x64xf32, #tpu.memory_space<vmem_shared>> -> memref<1000x64xf32, #tpu.memory_space<vmem_shared>>
        tpu.enqueue_dma source(%dma_start3A_19 : memref<1000x64xf32, #tpu.memory_space<vmem_shared>>) target(%dma_start3A_17 : memref<1000x64xf32, #tpu.memory_space<hbm>>) target_semaphore(%run_scoped3A : memref<!tpu.dma_semaphore, #tpu.memory_space<semaphore_mem>>)
        %dma_wait3A = arith.constant 0 : i32
        %dma_wait3A_20 = tpu.memref_slice %arg6[%arg0, %mul3A_15, %dma_wait3A] : memref<2x10240x64xf32, #tpu.memory_space<hbm>> -> memref<1x1000x64xf32, #tpu.memory_space<hbm>>
        %dma_wait3A_21 = tpu.memref_squeeze %dma_wait3A_20 : memref<1x1000x64xf32, #tpu.memory_space<hbm>> -> memref<1000x64xf32, #tpu.memory_space<hbm>>
        %dma_wait3A_22 = arith.constant 0 : i32
        %dma_wait3A_23 = tpu.memref_slice %arg11[%mul3A_15, %dma_wait3A_22] : memref<10000x64xf32, #tpu.memory_space<vmem_shared>> -> memref<1000x64xf32, #tpu.memory_space<vmem_shared>>
        tpu.wait_dma2 semaphore(%run_scoped3A : memref<!tpu.dma_semaphore, #tpu.memory_space<semaphore_mem>>) src(%dma_wait3A_23 : memref<1000x64xf32, #tpu.memory_space<vmem_shared>>) dst(%dma_wait3A_21 : memref<1000x64xf32, #tpu.memory_space<hbm>>)
        tpu.yield
      }) : () -> ()
    } else {
    }
    return
  }
}

#map = affine_map<(d0, d1) -> (0, 0)>
#map1 = affine_map<(d0, d1) -> (0, 0, 0)>
module attributes {stable_mosaic.version = 14 : i64} {
  func.func @_gather_h_body(%arg0: i32, %arg1: i32, %arg2: memref<10000x128xf32, #tpu.memory_space<hbm>>, %arg3: memref<32x4x80xi32, #tpu.memory_space<hbm>>, %arg4: memref<10240x128xf32, #tpu.memory_space<hbm>>, %arg5: memref<4x80xi32, #tpu.memory_space<vmem>>, %arg6: memref<80x128xf32, #tpu.memory_space<vmem>>, %arg7: memref<!tpu.dma_semaphore, #tpu.memory_space<semaphore_mem>>) attributes {dimension_semantics = [#tpu.dimension_semantics<core_parallel>, #tpu.dimension_semantics<subcore_parallel>], iteration_bounds = array<i64: 2, 16>, scalar_prefetch = 0 : i64, scratch_operands = 3 : i64, tpu.core_type = #tpu.core_type<sc_vector_subcore>, window_params = [{transform_indices = #map}, {transform_indices = #map1}, {transform_indices = #map}]} {
    %mul3A = arith.constant 2 : i32
    %mul3A_0 = arith.muli %arg1, %mul3A : i32
    %add3A = arith.addi %mul3A_0, %arg0 : i32
    "tpu.region"() ({
      %run_scoped3A = tpu.sem_alloc : memref<!tpu.dma_semaphore, #tpu.memory_space<semaphore_mem>>
      %dma_start3A_71 = arith.constant 0 : i32
      %dma_start3A_72 = arith.constant 0 : i32
      %dma_start3A_73 = tpu.memref_slice %arg3[%add3A, %dma_start3A_71, %dma_start3A_72] : memref<32x4x80xi32, #tpu.memory_space<hbm>> -> memref<1x4x80xi32, #tpu.memory_space<hbm>>
      %dma_start3A_74 = tpu.memref_squeeze %dma_start3A_73 : memref<1x4x80xi32, #tpu.memory_space<hbm>> -> memref<4x80xi32, #tpu.memory_space<hbm>>
      %dma_start3A_75 = arith.constant 0 : i32
      %dma_start3A_76 = arith.constant 0 : i32
      %dma_start3A_77 = tpu.memref_slice %arg3[%add3A, %dma_start3A_75, %dma_start3A_76] : memref<32x4x80xi32, #tpu.memory_space<hbm>> -> memref<1x4x80xi32, #tpu.memory_space<hbm>>
      %dma_start3A_78 = tpu.memref_squeeze %dma_start3A_77 : memref<1x4x80xi32, #tpu.memory_space<hbm>> -> memref<4x80xi32, #tpu.memory_space<hbm>>
      tpu.enqueue_dma source(%dma_start3A_78 : memref<4x80xi32, #tpu.memory_space<hbm>>) target(%arg5 : memref<4x80xi32, #tpu.memory_space<vmem>>) target_semaphore(%run_scoped3A : memref<!tpu.dma_semaphore, #tpu.memory_space<semaphore_mem>>)
      %dma_wait3A_79 = arith.constant 0 : i32
      %dma_wait3A_80 = arith.constant 0 : i32
      %dma_wait3A_81 = tpu.memref_slice %arg3[%add3A, %dma_wait3A_79, %dma_wait3A_80] : memref<32x4x80xi32, #tpu.memory_space<hbm>> -> memref<1x4x80xi32, #tpu.memory_space<hbm>>
      %dma_wait3A_82 = tpu.memref_squeeze %dma_wait3A_81 : memref<1x4x80xi32, #tpu.memory_space<hbm>> -> memref<4x80xi32, #tpu.memory_space<hbm>>
      %dma_wait3A_83 = arith.constant 0 : i32
      %dma_wait3A_84 = arith.constant 0 : i32
      %dma_wait3A_85 = tpu.memref_slice %arg3[%add3A, %dma_wait3A_83, %dma_wait3A_84] : memref<32x4x80xi32, #tpu.memory_space<hbm>> -> memref<1x4x80xi32, #tpu.memory_space<hbm>>
      %dma_wait3A_86 = tpu.memref_squeeze %dma_wait3A_85 : memref<1x4x80xi32, #tpu.memory_space<hbm>> -> memref<4x80xi32, #tpu.memory_space<hbm>>
      tpu.wait_dma2 semaphore(%run_scoped3A : memref<!tpu.dma_semaphore, #tpu.memory_space<semaphore_mem>>) src(%dma_wait3A_86 : memref<4x80xi32, #tpu.memory_space<hbm>>) dst(%arg5 : memref<4x80xi32, #tpu.memory_space<vmem>>)
      tpu.yield
    }) : () -> ()
    %dma_start3A = arith.constant 0 : i32
    %dma_start3A_1 = arith.constant 0 : i32
    %dma_start3A_2 = tpu.memref_slice %arg5[%dma_start3A, %dma_start3A_1] : memref<4x80xi32, #tpu.memory_space<vmem>> -> memref<1x80xi32, #tpu.memory_space<vmem>>
    %dma_start3A_3 = tpu.memref_squeeze %dma_start3A_2 : memref<1x80xi32, #tpu.memory_space<vmem>> -> memref<80xi32, #tpu.memory_space<vmem>>
    %dma_start3A_4 = arith.constant 0 : i32
    %dma_start3A_5 = arith.constant 0 : i32
    %dma_start3A_6 = tpu.memref_slice %arg2[%dma_start3A_4, %dma_start3A_5] : memref<10000x128xf32, #tpu.memory_space<hbm>> -> memref<10000x128xf32, #tpu.memory_space<hbm>>
    tpu.enqueue_indirect_dma source(%dma_start3A_6 : memref<10000x128xf32, #tpu.memory_space<hbm>>) target(%arg6 : memref<80x128xf32, #tpu.memory_space<vmem>>) offsets(%dma_start3A_3 : memref<80xi32, #tpu.memory_space<vmem>>) semaphore(%arg7 : memref<!tpu.dma_semaphore, #tpu.memory_space<semaphore_mem>>)
    %dma_wait3A = arith.constant 0 : i32
    %dma_wait3A_7 = arith.constant 0 : i32
    %dma_wait3A_8 = tpu.memref_slice %arg5[%dma_wait3A, %dma_wait3A_7] : memref<4x80xi32, #tpu.memory_space<vmem>> -> memref<1x80xi32, #tpu.memory_space<vmem>>
    %dma_wait3A_9 = tpu.memref_squeeze %dma_wait3A_8 : memref<1x80xi32, #tpu.memory_space<vmem>> -> memref<80xi32, #tpu.memory_space<vmem>>
    %dma_wait3A_10 = arith.constant 0 : i32
    %dma_wait3A_11 = arith.constant 0 : i32
    %dma_wait3A_12 = tpu.memref_slice %arg2[%dma_wait3A_10, %dma_wait3A_11] : memref<10000x128xf32, #tpu.memory_space<hbm>> -> memref<10000x128xf32, #tpu.memory_space<hbm>>
    tpu.wait_indirect_dma semaphore(%arg7 : memref<!tpu.dma_semaphore, #tpu.memory_space<semaphore_mem>>) src(%dma_wait3A_12 : memref<10000x128xf32, #tpu.memory_space<hbm>>) dst(%arg6 : memref<80x128xf32, #tpu.memory_space<vmem>>)
    %mul3A_13 = arith.constant 320 : i32
    %mul3A_14 = arith.muli %add3A, %mul3A_13 : i32
    %add3A_15 = arith.constant 0 : i32
    %add3A_16 = arith.addi %mul3A_14, %add3A_15 : i32
    "tpu.region"() ({
      %run_scoped3A = tpu.sem_alloc : memref<!tpu.dma_semaphore, #tpu.memory_space<semaphore_mem>>
      %dma_start3A_71 = arith.constant 0 : i32
      %dma_start3A_72 = tpu.memref_slice %arg4[%add3A_16, %dma_start3A_71] : memref<10240x128xf32, #tpu.memory_space<hbm>> -> memref<80x128xf32, #tpu.memory_space<hbm>>
      %dma_start3A_73 = arith.constant 0 : i32
      %dma_start3A_74 = tpu.memref_slice %arg4[%add3A_16, %dma_start3A_73] : memref<10240x128xf32, #tpu.memory_space<hbm>> -> memref<80x128xf32, #tpu.memory_space<hbm>>
      tpu.enqueue_dma source(%arg6 : memref<80x128xf32, #tpu.memory_space<vmem>>) target(%dma_start3A_74 : memref<80x128xf32, #tpu.memory_space<hbm>>) target_semaphore(%run_scoped3A : memref<!tpu.dma_semaphore, #tpu.memory_space<semaphore_mem>>)
      %dma_wait3A_75 = arith.constant 0 : i32
      %dma_wait3A_76 = tpu.memref_slice %arg4[%add3A_16, %dma_wait3A_75] : memref<10240x128xf32, #tpu.memory_space<hbm>> -> memref<80x128xf32, #tpu.memory_space<hbm>>
      %dma_wait3A_77 = arith.constant 0 : i32
      %dma_wait3A_78 = tpu.memref_slice %arg4[%add3A_16, %dma_wait3A_77] : memref<10240x128xf32, #tpu.memory_space<hbm>> -> memref<80x128xf32, #tpu.memory_space<hbm>>
      tpu.wait_dma2 semaphore(%run_scoped3A : memref<!tpu.dma_semaphore, #tpu.memory_space<semaphore_mem>>) src(%arg6 : memref<80x128xf32, #tpu.memory_space<vmem>>) dst(%dma_wait3A_78 : memref<80x128xf32, #tpu.memory_space<hbm>>)
      tpu.yield
    }) : () -> ()
    %dma_start3A_17 = arith.constant 1 : i32
    %dma_start3A_18 = arith.constant 0 : i32
    %dma_start3A_19 = tpu.memref_slice %arg5[%dma_start3A_17, %dma_start3A_18] : memref<4x80xi32, #tpu.memory_space<vmem>> -> memref<1x80xi32, #tpu.memory_space<vmem>>
    %dma_start3A_20 = tpu.memref_squeeze %dma_start3A_19 : memref<1x80xi32, #tpu.memory_space<vmem>> -> memref<80xi32, #tpu.memory_space<vmem>>
    %dma_start3A_21 = arith.constant 0 : i32
    %dma_start3A_22 = arith.constant 0 : i32
    %dma_start3A_23 = tpu.memref_slice %arg2[%dma_start3A_21, %dma_start3A_22] : memref<10000x128xf32, #tpu.memory_space<hbm>> -> memref<10000x128xf32, #tpu.memory_space<hbm>>
    tpu.enqueue_indirect_dma source(%dma_start3A_23 : memref<10000x128xf32, #tpu.memory_space<hbm>>) target(%arg6 : memref<80x128xf32, #tpu.memory_space<vmem>>) offsets(%dma_start3A_20 : memref<80xi32, #tpu.memory_space<vmem>>) semaphore(%arg7 : memref<!tpu.dma_semaphore, #tpu.memory_space<semaphore_mem>>)
    %dma_wait3A_24 = arith.constant 1 : i32
    %dma_wait3A_25 = arith.constant 0 : i32
    %dma_wait3A_26 = tpu.memref_slice %arg5[%dma_wait3A_24, %dma_wait3A_25] : memref<4x80xi32, #tpu.memory_space<vmem>> -> memref<1x80xi32, #tpu.memory_space<vmem>>
    %dma_wait3A_27 = tpu.memref_squeeze %dma_wait3A_26 : memref<1x80xi32, #tpu.memory_space<vmem>> -> memref<80xi32, #tpu.memory_space<vmem>>
    %dma_wait3A_28 = arith.constant 0 : i32
    %dma_wait3A_29 = arith.constant 0 : i32
    %dma_wait3A_30 = tpu.memref_slice %arg2[%dma_wait3A_28, %dma_wait3A_29] : memref<10000x128xf32, #tpu.memory_space<hbm>> -> memref<10000x128xf32, #tpu.memory_space<hbm>>
    tpu.wait_indirect_dma semaphore(%arg7 : memref<!tpu.dma_semaphore, #tpu.memory_space<semaphore_mem>>) src(%dma_wait3A_30 : memref<10000x128xf32, #tpu.memory_space<hbm>>) dst(%arg6 : memref<80x128xf32, #tpu.memory_space<vmem>>)
    %mul3A_31 = arith.constant 320 : i32
    %mul3A_32 = arith.muli %add3A, %mul3A_31 : i32
    %add3A_33 = arith.constant 80 : i32
    %add3A_34 = arith.addi %mul3A_32, %add3A_33 : i32
    "tpu.region"() ({
      %run_scoped3A = tpu.sem_alloc : memref<!tpu.dma_semaphore, #tpu.memory_space<semaphore_mem>>
      %dma_start3A_71 = arith.constant 0 : i32
      %dma_start3A_72 = tpu.memref_slice %arg4[%add3A_34, %dma_start3A_71] : memref<10240x128xf32, #tpu.memory_space<hbm>> -> memref<80x128xf32, #tpu.memory_space<hbm>>
      %dma_start3A_73 = arith.constant 0 : i32
      %dma_start3A_74 = tpu.memref_slice %arg4[%add3A_34, %dma_start3A_73] : memref<10240x128xf32, #tpu.memory_space<hbm>> -> memref<80x128xf32, #tpu.memory_space<hbm>>
      tpu.enqueue_dma source(%arg6 : memref<80x128xf32, #tpu.memory_space<vmem>>) target(%dma_start3A_74 : memref<80x128xf32, #tpu.memory_space<hbm>>) target_semaphore(%run_scoped3A : memref<!tpu.dma_semaphore, #tpu.memory_space<semaphore_mem>>)
      %dma_wait3A_75 = arith.constant 0 : i32
      %dma_wait3A_76 = tpu.memref_slice %arg4[%add3A_34, %dma_wait3A_75] : memref<10240x128xf32, #tpu.memory_space<hbm>> -> memref<80x128xf32, #tpu.memory_space<hbm>>
      %dma_wait3A_77 = arith.constant 0 : i32
      %dma_wait3A_78 = tpu.memref_slice %arg4[%add3A_34, %dma_wait3A_77] : memref<10240x128xf32, #tpu.memory_space<hbm>> -> memref<80x128xf32, #tpu.memory_space<hbm>>
      tpu.wait_dma2 semaphore(%run_scoped3A : memref<!tpu.dma_semaphore, #tpu.memory_space<semaphore_mem>>) src(%arg6 : memref<80x128xf32, #tpu.memory_space<vmem>>) dst(%dma_wait3A_78 : memref<80x128xf32, #tpu.memory_space<hbm>>)
      tpu.yield
    }) : () -> ()
    %dma_start3A_35 = arith.constant 2 : i32
    %dma_start3A_36 = arith.constant 0 : i32
    %dma_start3A_37 = tpu.memref_slice %arg5[%dma_start3A_35, %dma_start3A_36] : memref<4x80xi32, #tpu.memory_space<vmem>> -> memref<1x80xi32, #tpu.memory_space<vmem>>
    %dma_start3A_38 = tpu.memref_squeeze %dma_start3A_37 : memref<1x80xi32, #tpu.memory_space<vmem>> -> memref<80xi32, #tpu.memory_space<vmem>>
    %dma_start3A_39 = arith.constant 0 : i32
    %dma_start3A_40 = arith.constant 0 : i32
    %dma_start3A_41 = tpu.memref_slice %arg2[%dma_start3A_39, %dma_start3A_40] : memref<10000x128xf32, #tpu.memory_space<hbm>> -> memref<10000x128xf32, #tpu.memory_space<hbm>>
    tpu.enqueue_indirect_dma source(%dma_start3A_41 : memref<10000x128xf32, #tpu.memory_space<hbm>>) target(%arg6 : memref<80x128xf32, #tpu.memory_space<vmem>>) offsets(%dma_start3A_38 : memref<80xi32, #tpu.memory_space<vmem>>) semaphore(%arg7 : memref<!tpu.dma_semaphore, #tpu.memory_space<semaphore_mem>>)
    %dma_wait3A_42 = arith.constant 2 : i32
    %dma_wait3A_43 = arith.constant 0 : i32
    %dma_wait3A_44 = tpu.memref_slice %arg5[%dma_wait3A_42, %dma_wait3A_43] : memref<4x80xi32, #tpu.memory_space<vmem>> -> memref<1x80xi32, #tpu.memory_space<vmem>>
    %dma_wait3A_45 = tpu.memref_squeeze %dma_wait3A_44 : memref<1x80xi32, #tpu.memory_space<vmem>> -> memref<80xi32, #tpu.memory_space<vmem>>
    %dma_wait3A_46 = arith.constant 0 : i32
    %dma_wait3A_47 = arith.constant 0 : i32
    %dma_wait3A_48 = tpu.memref_slice %arg2[%dma_wait3A_46, %dma_wait3A_47] : memref<10000x128xf32, #tpu.memory_space<hbm>> -> memref<10000x128xf32, #tpu.memory_space<hbm>>
    tpu.wait_indirect_dma semaphore(%arg7 : memref<!tpu.dma_semaphore, #tpu.memory_space<semaphore_mem>>) src(%dma_wait3A_48 : memref<10000x128xf32, #tpu.memory_space<hbm>>) dst(%arg6 : memref<80x128xf32, #tpu.memory_space<vmem>>)
    %mul3A_49 = arith.constant 320 : i32
    %mul3A_50 = arith.muli %add3A, %mul3A_49 : i32
    %add3A_51 = arith.constant 160 : i32
    %add3A_52 = arith.addi %mul3A_50, %add3A_51 : i32
    "tpu.region"() ({
      %run_scoped3A = tpu.sem_alloc : memref<!tpu.dma_semaphore, #tpu.memory_space<semaphore_mem>>
      %dma_start3A_71 = arith.constant 0 : i32
      %dma_start3A_72 = tpu.memref_slice %arg4[%add3A_52, %dma_start3A_71] : memref<10240x128xf32, #tpu.memory_space<hbm>> -> memref<80x128xf32, #tpu.memory_space<hbm>>
      %dma_start3A_73 = arith.constant 0 : i32
      %dma_start3A_74 = tpu.memref_slice %arg4[%add3A_52, %dma_start3A_73] : memref<10240x128xf32, #tpu.memory_space<hbm>> -> memref<80x128xf32, #tpu.memory_space<hbm>>
      tpu.enqueue_dma source(%arg6 : memref<80x128xf32, #tpu.memory_space<vmem>>) target(%dma_start3A_74 : memref<80x128xf32, #tpu.memory_space<hbm>>) target_semaphore(%run_scoped3A : memref<!tpu.dma_semaphore, #tpu.memory_space<semaphore_mem>>)
      %dma_wait3A_75 = arith.constant 0 : i32
      %dma_wait3A_76 = tpu.memref_slice %arg4[%add3A_52, %dma_wait3A_75] : memref<10240x128xf32, #tpu.memory_space<hbm>> -> memref<80x128xf32, #tpu.memory_space<hbm>>
      %dma_wait3A_77 = arith.constant 0 : i32
      %dma_wait3A_78 = tpu.memref_slice %arg4[%add3A_52, %dma_wait3A_77] : memref<10240x128xf32, #tpu.memory_space<hbm>> -> memref<80x128xf32, #tpu.memory_space<hbm>>
      tpu.wait_dma2 semaphore(%run_scoped3A : memref<!tpu.dma_semaphore, #tpu.memory_space<semaphore_mem>>) src(%arg6 : memref<80x128xf32, #tpu.memory_space<vmem>>) dst(%dma_wait3A_78 : memref<80x128xf32, #tpu.memory_space<hbm>>)
      tpu.yield
    }) : () -> ()
    %dma_start3A_53 = arith.constant 3 : i32
    %dma_start3A_54 = arith.constant 0 : i32
    %dma_start3A_55 = tpu.memref_slice %arg5[%dma_start3A_53, %dma_start3A_54] : memref<4x80xi32, #tpu.memory_space<vmem>> -> memref<1x80xi32, #tpu.memory_space<vmem>>
    %dma_start3A_56 = tpu.memref_squeeze %dma_start3A_55 : memref<1x80xi32, #tpu.memory_space<vmem>> -> memref<80xi32, #tpu.memory_space<vmem>>
    %dma_start3A_57 = arith.constant 0 : i32
    %dma_start3A_58 = arith.constant 0 : i32
    %dma_start3A_59 = tpu.memref_slice %arg2[%dma_start3A_57, %dma_start3A_58] : memref<10000x128xf32, #tpu.memory_space<hbm>> -> memref<10000x128xf32, #tpu.memory_space<hbm>>
    tpu.enqueue_indirect_dma source(%dma_start3A_59 : memref<10000x128xf32, #tpu.memory_space<hbm>>) target(%arg6 : memref<80x128xf32, #tpu.memory_space<vmem>>) offsets(%dma_start3A_56 : memref<80xi32, #tpu.memory_space<vmem>>) semaphore(%arg7 : memref<!tpu.dma_semaphore, #tpu.memory_space<semaphore_mem>>)
    %dma_wait3A_60 = arith.constant 3 : i32
    %dma_wait3A_61 = arith.constant 0 : i32
    %dma_wait3A_62 = tpu.memref_slice %arg5[%dma_wait3A_60, %dma_wait3A_61] : memref<4x80xi32, #tpu.memory_space<vmem>> -> memref<1x80xi32, #tpu.memory_space<vmem>>
    %dma_wait3A_63 = tpu.memref_squeeze %dma_wait3A_62 : memref<1x80xi32, #tpu.memory_space<vmem>> -> memref<80xi32, #tpu.memory_space<vmem>>
    %dma_wait3A_64 = arith.constant 0 : i32
    %dma_wait3A_65 = arith.constant 0 : i32
    %dma_wait3A_66 = tpu.memref_slice %arg2[%dma_wait3A_64, %dma_wait3A_65] : memref<10000x128xf32, #tpu.memory_space<hbm>> -> memref<10000x128xf32, #tpu.memory_space<hbm>>
    tpu.wait_indirect_dma semaphore(%arg7 : memref<!tpu.dma_semaphore, #tpu.memory_space<semaphore_mem>>) src(%dma_wait3A_66 : memref<10000x128xf32, #tpu.memory_space<hbm>>) dst(%arg6 : memref<80x128xf32, #tpu.memory_space<vmem>>)
    %mul3A_67 = arith.constant 320 : i32
    %mul3A_68 = arith.muli %add3A, %mul3A_67 : i32
    %add3A_69 = arith.constant 240 : i32
    %add3A_70 = arith.addi %mul3A_68, %add3A_69 : i32
    "tpu.region"() ({
      %run_scoped3A = tpu.sem_alloc : memref<!tpu.dma_semaphore, #tpu.memory_space<semaphore_mem>>
      %dma_start3A_71 = arith.constant 0 : i32
      %dma_start3A_72 = tpu.memref_slice %arg4[%add3A_70, %dma_start3A_71] : memref<10240x128xf32, #tpu.memory_space<hbm>> -> memref<80x128xf32, #tpu.memory_space<hbm>>
      %dma_start3A_73 = arith.constant 0 : i32
      %dma_start3A_74 = tpu.memref_slice %arg4[%add3A_70, %dma_start3A_73] : memref<10240x128xf32, #tpu.memory_space<hbm>> -> memref<80x128xf32, #tpu.memory_space<hbm>>
      tpu.enqueue_dma source(%arg6 : memref<80x128xf32, #tpu.memory_space<vmem>>) target(%dma_start3A_74 : memref<80x128xf32, #tpu.memory_space<hbm>>) target_semaphore(%run_scoped3A : memref<!tpu.dma_semaphore, #tpu.memory_space<semaphore_mem>>)
      %dma_wait3A_75 = arith.constant 0 : i32
      %dma_wait3A_76 = tpu.memref_slice %arg4[%add3A_70, %dma_wait3A_75] : memref<10240x128xf32, #tpu.memory_space<hbm>> -> memref<80x128xf32, #tpu.memory_space<hbm>>
      %dma_wait3A_77 = arith.constant 0 : i32
      %dma_wait3A_78 = tpu.memref_slice %arg4[%add3A_70, %dma_wait3A_77] : memref<10240x128xf32, #tpu.memory_space<hbm>> -> memref<80x128xf32, #tpu.memory_space<hbm>>
      tpu.wait_dma2 semaphore(%run_scoped3A : memref<!tpu.dma_semaphore, #tpu.memory_space<semaphore_mem>>) src(%arg6 : memref<80x128xf32, #tpu.memory_space<vmem>>) dst(%dma_wait3A_78 : memref<80x128xf32, #tpu.memory_space<hbm>>)
      tpu.yield
    }) : () -> ()
    return
  }
}

#map = affine_map<(d0, d1) -> (0, 0)>
#map1 = affine_map<(d0, d1) -> (0, 0, 0)>
module attributes {stable_mosaic.version = 14 : i64} {
  func.func @body(%arg0: i32, %arg1: i32, %arg2: memref<81920x128xf32, #tpu.memory_space<hbm>>, %arg3: memref<32x125x80xi32, #tpu.memory_space<hbm>>, %arg4: memref<32x125x80xi32, #tpu.memory_space<hbm>>, %arg5: memref<10000x128xf32, #tpu.memory_space<hbm>>, %arg6: memref<640x16xf32, #tpu.memory_space<hbm>>, %arg7: memref<16x16xf32, #tpu.memory_space<hbm>>, %arg8: memref<2x10240x128xf32, #tpu.memory_space<hbm>>, %arg9: memref<2x640x16xf32, #tpu.memory_space<hbm>>, %arg10: memref<125x80xi32, #tpu.memory_space<vmem>>, %arg11: memref<125x80xi32, #tpu.memory_space<vmem>>, %arg12: memref<16x128xf32, #tpu.memory_space<vmem>>, %arg13: memref<16x128xf32, #tpu.memory_space<vmem>>, %arg14: memref<10000x128xf32, #tpu.memory_space<vmem_shared>>, %arg15: memref<!tpu.dma_semaphore, #tpu.memory_space<semaphore_mem>>, %arg16: memref<!tpu.dma_semaphore, #tpu.memory_space<semaphore_mem>>, %arg17: memref<16x16xf32, #tpu.memory_space<vmem>>, %arg18: memref<16x16xf32, #tpu.memory_space<vmem>>, %arg19: memref<!tpu.dma_semaphore, #tpu.memory_space<semaphore_mem>>, %arg20: memref<!tpu.dma_semaphore, #tpu.memory_space<semaphore_mem>>, %arg21: memref<640x16xf32, #tpu.memory_space<vmem_shared>>) attributes {dimension_semantics = [#tpu.dimension_semantics<core_parallel>, #tpu.dimension_semantics<subcore_parallel>], iteration_bounds = array<i64: 2, 16>, scalar_prefetch = 0 : i64, scratch_operands = 12 : i64, tpu.core_type = #tpu.core_type<sc_vector_subcore>, window_params = [{transform_indices = #map}, {transform_indices = #map1}, {transform_indices = #map1}, {transform_indices = #map}, {transform_indices = #map}, {transform_indices = #map}, {transform_indices = #map1}, {transform_indices = #map1}]} {
    %mul3A = arith.constant 2 : i32
    %mul3A_0 = arith.muli %arg1, %mul3A : i32
    %add3A = arith.addi %mul3A_0, %arg0 : i32
    "tpu.region"() ({
      %run_scoped3A = tpu.sem_alloc : memref<!tpu.dma_semaphore, #tpu.memory_space<semaphore_mem>>
      %dma_start3A = arith.constant 0 : i32
      %dma_start3A_23 = arith.constant 0 : i32
      %dma_start3A_24 = tpu.memref_slice %arg3[%add3A, %dma_start3A, %dma_start3A_23] : memref<32x125x80xi32, #tpu.memory_space<hbm>> -> memref<1x125x80xi32, #tpu.memory_space<hbm>>
      %dma_start3A_25 = tpu.memref_squeeze %dma_start3A_24 : memref<1x125x80xi32, #tpu.memory_space<hbm>> -> memref<125x80xi32, #tpu.memory_space<hbm>>
      %dma_start3A_26 = arith.constant 0 : i32
      %dma_start3A_27 = arith.constant 0 : i32
      %dma_start3A_28 = tpu.memref_slice %arg3[%add3A, %dma_start3A_26, %dma_start3A_27] : memref<32x125x80xi32, #tpu.memory_space<hbm>> -> memref<1x125x80xi32, #tpu.memory_space<hbm>>
      %dma_start3A_29 = tpu.memref_squeeze %dma_start3A_28 : memref<1x125x80xi32, #tpu.memory_space<hbm>> -> memref<125x80xi32, #tpu.memory_space<hbm>>
      tpu.enqueue_dma source(%dma_start3A_29 : memref<125x80xi32, #tpu.memory_space<hbm>>) target(%arg10 : memref<125x80xi32, #tpu.memory_space<vmem>>) target_semaphore(%run_scoped3A : memref<!tpu.dma_semaphore, #tpu.memory_space<semaphore_mem>>)
      %dma_wait3A = arith.constant 0 : i32
      %dma_wait3A_30 = arith.constant 0 : i32
      %dma_wait3A_31 = tpu.memref_slice %arg3[%add3A, %dma_wait3A, %dma_wait3A_30] : memref<32x125x80xi32, #tpu.memory_space<hbm>> -> memref<1x125x80xi32, #tpu.memory_space<hbm>>
      %dma_wait3A_32 = tpu.memref_squeeze %dma_wait3A_31 : memref<1x125x80xi32, #tpu.memory_space<hbm>> -> memref<125x80xi32, #tpu.memory_space<hbm>>
      %dma_wait3A_33 = arith.constant 0 : i32
      %dma_wait3A_34 = arith.constant 0 : i32
      %dma_wait3A_35 = tpu.memref_slice %arg3[%add3A, %dma_wait3A_33, %dma_wait3A_34] : memref<32x125x80xi32, #tpu.memory_space<hbm>> -> memref<1x125x80xi32, #tpu.memory_space<hbm>>
      %dma_wait3A_36 = tpu.memref_squeeze %dma_wait3A_35 : memref<1x125x80xi32, #tpu.memory_space<hbm>> -> memref<125x80xi32, #tpu.memory_space<hbm>>
      tpu.wait_dma2 semaphore(%run_scoped3A : memref<!tpu.dma_semaphore, #tpu.memory_space<semaphore_mem>>) src(%dma_wait3A_36 : memref<125x80xi32, #tpu.memory_space<hbm>>) dst(%arg10 : memref<125x80xi32, #tpu.memory_space<vmem>>)
      tpu.yield
    }) : () -> ()
    "tpu.region"() ({
      %run_scoped3A = tpu.sem_alloc : memref<!tpu.dma_semaphore, #tpu.memory_space<semaphore_mem>>
      %dma_start3A = arith.constant 0 : i32
      %dma_start3A_23 = arith.constant 0 : i32
      %dma_start3A_24 = tpu.memref_slice %arg4[%add3A, %dma_start3A, %dma_start3A_23] : memref<32x125x80xi32, #tpu.memory_space<hbm>> -> memref<1x125x80xi32, #tpu.memory_space<hbm>>
      %dma_start3A_25 = tpu.memref_squeeze %dma_start3A_24 : memref<1x125x80xi32, #tpu.memory_space<hbm>> -> memref<125x80xi32, #tpu.memory_space<hbm>>
      %dma_start3A_26 = arith.constant 0 : i32
      %dma_start3A_27 = arith.constant 0 : i32
      %dma_start3A_28 = tpu.memref_slice %arg4[%add3A, %dma_start3A_26, %dma_start3A_27] : memref<32x125x80xi32, #tpu.memory_space<hbm>> -> memref<1x125x80xi32, #tpu.memory_space<hbm>>
      %dma_start3A_29 = tpu.memref_squeeze %dma_start3A_28 : memref<1x125x80xi32, #tpu.memory_space<hbm>> -> memref<125x80xi32, #tpu.memory_space<hbm>>
      tpu.enqueue_dma source(%dma_start3A_29 : memref<125x80xi32, #tpu.memory_space<hbm>>) target(%arg11 : memref<125x80xi32, #tpu.memory_space<vmem>>) target_semaphore(%run_scoped3A : memref<!tpu.dma_semaphore, #tpu.memory_space<semaphore_mem>>)
      %dma_wait3A = arith.constant 0 : i32
      %dma_wait3A_30 = arith.constant 0 : i32
      %dma_wait3A_31 = tpu.memref_slice %arg4[%add3A, %dma_wait3A, %dma_wait3A_30] : memref<32x125x80xi32, #tpu.memory_space<hbm>> -> memref<1x125x80xi32, #tpu.memory_space<hbm>>
      %dma_wait3A_32 = tpu.memref_squeeze %dma_wait3A_31 : memref<1x125x80xi32, #tpu.memory_space<hbm>> -> memref<125x80xi32, #tpu.memory_space<hbm>>
      %dma_wait3A_33 = arith.constant 0 : i32
      %dma_wait3A_34 = arith.constant 0 : i32
      %dma_wait3A_35 = tpu.memref_slice %arg4[%add3A, %dma_wait3A_33, %dma_wait3A_34] : memref<32x125x80xi32, #tpu.memory_space<hbm>> -> memref<1x125x80xi32, #tpu.memory_space<hbm>>
      %dma_wait3A_36 = tpu.memref_squeeze %dma_wait3A_35 : memref<1x125x80xi32, #tpu.memory_space<hbm>> -> memref<125x80xi32, #tpu.memory_space<hbm>>
      tpu.wait_dma2 semaphore(%run_scoped3A : memref<!tpu.dma_semaphore, #tpu.memory_space<semaphore_mem>>) src(%dma_wait3A_36 : memref<125x80xi32, #tpu.memory_space<hbm>>) dst(%arg11 : memref<125x80xi32, #tpu.memory_space<vmem>>)
      tpu.yield
    }) : () -> ()
    %lt3A = arith.constant 10 : i32
    %lt3A_1 = arith.cmpi slt, %arg1, %lt3A : i32
    %convert_element_type3A = arith.extui %lt3A_1 : i1 to i32
    %cond3A = arith.constant 0 : i32
    %cond3A_2 = arith.cmpi ne, %convert_element_type3A, %cond3A : i32
    scf.if %cond3A_2 {
      %mul3A_23 = arith.constant 1000 : i32
      %mul3A_24 = arith.muli %arg1, %mul3A_23 : i32
      "tpu.region"() ({
        %run_scoped3A = tpu.sem_alloc : memref<!tpu.dma_semaphore, #tpu.memory_space<semaphore_mem>>
        %dma_start3A = arith.constant 0 : i32
        %dma_start3A_25 = tpu.memref_slice %arg14[%mul3A_24, %dma_start3A] : memref<10000x128xf32, #tpu.memory_space<vmem_shared>> -> memref<1000x128xf32, #tpu.memory_space<vmem_shared>>
        %dma_start3A_26 = arith.constant 0 : i32
        %dma_start3A_27 = tpu.memref_slice %arg5[%mul3A_24, %dma_start3A_26] : memref<10000x128xf32, #tpu.memory_space<hbm>> -> memref<1000x128xf32, #tpu.memory_space<hbm>>
        tpu.enqueue_dma source(%dma_start3A_27 : memref<1000x128xf32, #tpu.memory_space<hbm>>) target(%dma_start3A_25 : memref<1000x128xf32, #tpu.memory_space<vmem_shared>>) target_semaphore(%run_scoped3A : memref<!tpu.dma_semaphore, #tpu.memory_space<semaphore_mem>>)
        %dma_wait3A = arith.constant 0 : i32
        %dma_wait3A_28 = tpu.memref_slice %arg14[%mul3A_24, %dma_wait3A] : memref<10000x128xf32, #tpu.memory_space<vmem_shared>> -> memref<1000x128xf32, #tpu.memory_space<vmem_shared>>
        %dma_wait3A_29 = arith.constant 0 : i32
        %dma_wait3A_30 = tpu.memref_slice %arg5[%mul3A_24, %dma_wait3A_29] : memref<10000x128xf32, #tpu.memory_space<hbm>> -> memref<1000x128xf32, #tpu.memory_space<hbm>>
        tpu.wait_dma2 semaphore(%run_scoped3A : memref<!tpu.dma_semaphore, #tpu.memory_space<semaphore_mem>>) src(%dma_wait3A_30 : memref<1000x128xf32, #tpu.memory_space<hbm>>) dst(%dma_wait3A_28 : memref<1000x128xf32, #tpu.memory_space<vmem_shared>>)
        tpu.yield
      }) : () -> ()
    } else {
    }
    %eq3A = arith.constant 10 : i32
    %eq3A_3 = arith.cmpi eq, %arg1, %eq3A : i32
    %convert_element_type3A_4 = arith.extui %eq3A_3 : i1 to i32
    %cond3A_5 = arith.constant 0 : i32
    %cond3A_6 = arith.cmpi ne, %convert_element_type3A_4, %cond3A_5 : i32
    scf.if %cond3A_6 {
      "tpu.region"() ({
        %run_scoped3A = tpu.sem_alloc : memref<!tpu.dma_semaphore, #tpu.memory_space<semaphore_mem>>
        tpu.enqueue_dma source(%arg6 : memref<640x16xf32, #tpu.memory_space<hbm>>) target(%arg21 : memref<640x16xf32, #tpu.memory_space<vmem_shared>>) target_semaphore(%run_scoped3A : memref<!tpu.dma_semaphore, #tpu.memory_space<semaphore_mem>>)
        tpu.wait_dma2 semaphore(%run_scoped3A : memref<!tpu.dma_semaphore, #tpu.memory_space<semaphore_mem>>) src(%arg6 : memref<640x16xf32, #tpu.memory_space<hbm>>) dst(%arg21 : memref<640x16xf32, #tpu.memory_space<vmem_shared>>)
        tpu.yield
      }) : () -> ()
    } else {
    }
    %barrier3A = arith.constant 0 : index
    tpu.barrier barrier_id(%barrier3A)
    %scan3A = arith.constant 0 : i32
    %scan3A_7 = arith.constant 0 : i32
    %scan3A_8 = arith.constant 125 : i32
    %scan3A_9 = arith.addi %scan3A_7, %scan3A_8 : i32
    %scan3A_10 = arith.constant 1 : i32
    scf.for %scan3A_23 = %scan3A_7 to %scan3A_9 step %scan3A_10  : i32 {
      %get3A = arith.index_cast %scan3A_23 : i32 to index
      %get3A_24 = arith.constant 0 : index
      %get3A_25 = tpu.vector_load %arg10[%get3A, %get3A_24] {strides = array<i32>} : memref<125x80xi32, #tpu.memory_space<vmem>>, vector<1x16xi32>,
      %get3A_26 = vector.shape_cast %get3A_25 : vector<1x16xi32> to vector<16xi32>
      %get3A_27 = arith.index_cast %scan3A_23 : i32 to index
      %get3A_28 = arith.constant 16 : index
      %get3A_29 = tpu.vector_load %arg10[%get3A_27, %get3A_28] {strides = array<i32>} : memref<125x80xi32, #tpu.memory_space<vmem>>, vector<1x16xi32>,
      %get3A_30 = vector.shape_cast %get3A_29 : vector<1x16xi32> to vector<16xi32>
      %get3A_31 = arith.index_cast %scan3A_23 : i32 to index
      %get3A_32 = arith.constant 32 : index
      %get3A_33 = tpu.vector_load %arg10[%get3A_31, %get3A_32] {strides = array<i32>} : memref<125x80xi32, #tpu.memory_space<vmem>>, vector<1x16xi32>,
      %get3A_34 = vector.shape_cast %get3A_33 : vector<1x16xi32> to vector<16xi32>
      %get3A_35 = arith.index_cast %scan3A_23 : i32 to index
      %get3A_36 = arith.constant 48 : index
      %get3A_37 = tpu.vector_load %arg10[%get3A_35, %get3A_36] {strides = array<i32>} : memref<125x80xi32, #tpu.memory_space<vmem>>, vector<1x16xi32>,
      %get3A_38 = vector.shape_cast %get3A_37 : vector<1x16xi32> to vector<16xi32>
      %get3A_39 = arith.index_cast %scan3A_23 : i32 to index
      %get3A_40 = arith.constant 64 : index
      %get3A_41 = tpu.vector_load %arg10[%get3A_39, %get3A_40] {strides = array<i32>} : memref<125x80xi32, #tpu.memory_space<vmem>>, vector<1x16xi32>,
      %get3A_42 = vector.shape_cast %get3A_41 : vector<1x16xi32> to vector<16xi32>
      %get3A_43 = arith.index_cast %scan3A_23 : i32 to index
      %get3A_44 = arith.constant 0 : index
      %get3A_45 = tpu.vector_load %arg11[%get3A_43, %get3A_44] {strides = array<i32>} : memref<125x80xi32, #tpu.memory_space<vmem>>, vector<1x16xi32>,
      %get3A_46 = vector.shape_cast %get3A_45 : vector<1x16xi32> to vector<16xi32>
      %get3A_47 = arith.index_cast %scan3A_23 : i32 to index
      %get3A_48 = arith.constant 16 : index
      %get3A_49 = tpu.vector_load %arg11[%get3A_47, %get3A_48] {strides = array<i32>} : memref<125x80xi32, #tpu.memory_space<vmem>>, vector<1x16xi32>,
      %get3A_50 = vector.shape_cast %get3A_49 : vector<1x16xi32> to vector<16xi32>
      %get3A_51 = arith.index_cast %scan3A_23 : i32 to index
      %get3A_52 = arith.constant 32 : index
      %get3A_53 = tpu.vector_load %arg11[%get3A_51, %get3A_52] {strides = array<i32>} : memref<125x80xi32, #tpu.memory_space<vmem>>, vector<1x16xi32>,
      %get3A_54 = vector.shape_cast %get3A_53 : vector<1x16xi32> to vector<16xi32>
      %get3A_55 = arith.index_cast %scan3A_23 : i32 to index
      %get3A_56 = arith.constant 48 : index
      %get3A_57 = tpu.vector_load %arg11[%get3A_55, %get3A_56] {strides = array<i32>} : memref<125x80xi32, #tpu.memory_space<vmem>>, vector<1x16xi32>,
      %get3A_58 = vector.shape_cast %get3A_57 : vector<1x16xi32> to vector<16xi32>
      %get3A_59 = arith.index_cast %scan3A_23 : i32 to index
      %get3A_60 = arith.constant 64 : index
      %get3A_61 = tpu.vector_load %arg11[%get3A_59, %get3A_60] {strides = array<i32>} : memref<125x80xi32, #tpu.memory_space<vmem>>, vector<1x16xi32>,
      %get3A_62 = vector.shape_cast %get3A_61 : vector<1x16xi32> to vector<16xi32>
      %dma_start3A = arith.constant 0 : i32
      %dma_start3A_63 = arith.constant 0 : i32
      %dma_start3A_64 = tpu.memref_slice %arg2[%dma_start3A, %dma_start3A_63] : memref<81920x128xf32, #tpu.memory_space<hbm>> -> memref<81920x128xf32, #tpu.memory_space<hbm>>
      tpu.enqueue_indirect_dma source(%dma_start3A_64 : memref<81920x128xf32, #tpu.memory_space<hbm>>) target(%arg12 : memref<16x128xf32, #tpu.memory_space<vmem>>) offsets(%get3A_26 : vector<16xi32>) semaphore(%arg15 : memref<!tpu.dma_semaphore, #tpu.memory_space<semaphore_mem>>)
      %and3A = arith.constant 15 : i32
      %and3A_65 = vector.broadcast %and3A : i32 to vector<16xi32>
      %and3A_66 = arith.andi %get3A_46, %and3A_65 : vector<16xi32>
      %and3A_67 = arith.constant 15 : i32
      %and3A_68 = vector.broadcast %and3A_67 : i32 to vector<16xi32>
      %and3A_69 = arith.andi %get3A_50, %and3A_68 : vector<16xi32>
      %and3A_70 = arith.constant 15 : i32
      %and3A_71 = vector.broadcast %and3A_70 : i32 to vector<16xi32>
      %and3A_72 = arith.andi %get3A_54, %and3A_71 : vector<16xi32>
      %and3A_73 = arith.constant 15 : i32
      %and3A_74 = vector.broadcast %and3A_73 : i32 to vector<16xi32>
      %and3A_75 = arith.andi %get3A_58, %and3A_74 : vector<16xi32>
      %and3A_76 = arith.constant 15 : i32
      %and3A_77 = vector.broadcast %and3A_76 : i32 to vector<16xi32>
      %and3A_78 = arith.andi %get3A_62, %and3A_77 : vector<16xi32>
      %shift_right_logical3A = arith.constant 4 : i32
      %shift_right_logical3A_79 = vector.broadcast %shift_right_logical3A : i32 to vector<16xi32>
      %shift_right_logical3A_80 = arith.shrui %get3A_46, %shift_right_logical3A_79 : vector<16xi32>
      %shift_right_logical3A_81 = arith.constant 4 : i32
      %shift_right_logical3A_82 = vector.broadcast %shift_right_logical3A_81 : i32 to vector<16xi32>
      %shift_right_logical3A_83 = arith.shrui %get3A_50, %shift_right_logical3A_82 : vector<16xi32>
      %shift_right_logical3A_84 = arith.constant 4 : i32
      %shift_right_logical3A_85 = vector.broadcast %shift_right_logical3A_84 : i32 to vector<16xi32>
      %shift_right_logical3A_86 = arith.shrui %get3A_54, %shift_right_logical3A_85 : vector<16xi32>
      %shift_right_logical3A_87 = arith.constant 4 : i32
      %shift_right_logical3A_88 = vector.broadcast %shift_right_logical3A_87 : i32 to vector<16xi32>
      %shift_right_logical3A_89 = arith.shrui %get3A_58, %shift_right_logical3A_88 : vector<16xi32>
      %shift_right_logical3A_90 = arith.constant 4 : i32
      %shift_right_logical3A_91 = vector.broadcast %shift_right_logical3A_90 : i32 to vector<16xi32>
      %shift_right_logical3A_92 = arith.shrui %get3A_62, %shift_right_logical3A_91 : vector<16xi32>
      %dma_start3A_93 = arith.constant 0 : i32
      %dma_start3A_94 = arith.constant 0 : i32
      %dma_start3A_95 = tpu.memref_slice %arg7[%dma_start3A_93, %dma_start3A_94] : memref<16x16xf32, #tpu.memory_space<hbm>> -> memref<16x16xf32, #tpu.memory_space<hbm>>
      tpu.enqueue_indirect_dma source(%dma_start3A_95 : memref<16x16xf32, #tpu.memory_space<hbm>>) target(%arg17 : memref<16x16xf32, #tpu.memory_space<vmem>>) offsets(%and3A_66 : vector<16xi32>) semaphore(%arg19 : memref<!tpu.dma_semaphore, #tpu.memory_space<semaphore_mem>>)
      %dma_wait3A = arith.constant 0 : i32
      %dma_wait3A_96 = arith.constant 0 : i32
      %dma_wait3A_97 = tpu.memref_slice %arg2[%dma_wait3A, %dma_wait3A_96] : memref<81920x128xf32, #tpu.memory_space<hbm>> -> memref<81920x128xf32, #tpu.memory_space<hbm>>
      tpu.wait_indirect_dma semaphore(%arg15 : memref<!tpu.dma_semaphore, #tpu.memory_space<semaphore_mem>>) src(%dma_wait3A_97 : memref<81920x128xf32, #tpu.memory_space<hbm>>) dst(%arg12 : memref<16x128xf32, #tpu.memory_space<vmem>>)
      %dma_start3A_98 = arith.constant 0 : i32
      %dma_start3A_99 = arith.constant 0 : i32
      %dma_start3A_100 = tpu.memref_slice %arg14[%dma_start3A_98, %dma_start3A_99] : memref<10000x128xf32, #tpu.memory_space<vmem_shared>> -> memref<10000x128xf32, #tpu.memory_space<vmem_shared>>
      tpu.enqueue_indirect_dma source(%arg12 : memref<16x128xf32, #tpu.memory_space<vmem>>) target(%dma_start3A_100 : memref<10000x128xf32, #tpu.memory_space<vmem_shared>>) offsets(%get3A_46 : vector<16xi32>) semaphore(%arg16 : memref<!tpu.dma_semaphore, #tpu.memory_space<semaphore_mem>>) {add = true}
      %dma_start3A_101 = arith.constant 0 : i32
      %dma_start3A_102 = arith.constant 0 : i32
      %dma_start3A_103 = tpu.memref_slice %arg2[%dma_start3A_101, %dma_start3A_102] : memref<81920x128xf32, #tpu.memory_space<hbm>> -> memref<81920x128xf32, #tpu.memory_space<hbm>>
      tpu.enqueue_indirect_dma source(%dma_start3A_103 : memref<81920x128xf32, #tpu.memory_space<hbm>>) target(%arg13 : memref<16x128xf32, #tpu.memory_space<vmem>>) offsets(%get3A_30 : vector<16xi32>) semaphore(%arg15 : memref<!tpu.dma_semaphore, #tpu.memory_space<semaphore_mem>>)
      %dma_wait3A_104 = arith.constant 0 : i32
      %dma_wait3A_105 = arith.constant 0 : i32
      %dma_wait3A_106 = tpu.memref_slice %arg7[%dma_wait3A_104, %dma_wait3A_105] : memref<16x16xf32, #tpu.memory_space<hbm>> -> memref<16x16xf32, #tpu.memory_space<hbm>>
      tpu.wait_indirect_dma semaphore(%arg19 : memref<!tpu.dma_semaphore, #tpu.memory_space<semaphore_mem>>) src(%dma_wait3A_106 : memref<16x16xf32, #tpu.memory_space<hbm>>) dst(%arg17 : memref<16x16xf32, #tpu.memory_space<vmem>>)
      %dma_start3A_107 = arith.constant 0 : i32
      %dma_start3A_108 = arith.constant 0 : i32
      %dma_start3A_109 = tpu.memref_slice %arg21[%dma_start3A_107, %dma_start3A_108] : memref<640x16xf32, #tpu.memory_space<vmem_shared>> -> memref<640x16xf32, #tpu.memory_space<vmem_shared>>
      tpu.enqueue_indirect_dma source(%arg17 : memref<16x16xf32, #tpu.memory_space<vmem>>) target(%dma_start3A_109 : memref<640x16xf32, #tpu.memory_space<vmem_shared>>) offsets(%shift_right_logical3A_80 : vector<16xi32>) semaphore(%arg20 : memref<!tpu.dma_semaphore, #tpu.memory_space<semaphore_mem>>) {add = true}
      %dma_start3A_110 = arith.constant 0 : i32
      %dma_start3A_111 = arith.constant 0 : i32
      %dma_start3A_112 = tpu.memref_slice %arg7[%dma_start3A_110, %dma_start3A_111] : memref<16x16xf32, #tpu.memory_space<hbm>> -> memref<16x16xf32, #tpu.memory_space<hbm>>
      tpu.enqueue_indirect_dma source(%dma_start3A_112 : memref<16x16xf32, #tpu.memory_space<hbm>>) target(%arg18 : memref<16x16xf32, #tpu.memory_space<vmem>>) offsets(%and3A_69 : vector<16xi32>) semaphore(%arg19 : memref<!tpu.dma_semaphore, #tpu.memory_space<semaphore_mem>>)
      %dma_wait3A_113 = arith.constant 0 : i32
      %dma_wait3A_114 = arith.constant 0 : i32
      %dma_wait3A_115 = tpu.memref_slice %arg2[%dma_wait3A_113, %dma_wait3A_114] : memref<81920x128xf32, #tpu.memory_space<hbm>> -> memref<81920x128xf32, #tpu.memory_space<hbm>>
      tpu.wait_indirect_dma semaphore(%arg15 : memref<!tpu.dma_semaphore, #tpu.memory_space<semaphore_mem>>) src(%dma_wait3A_115 : memref<81920x128xf32, #tpu.memory_space<hbm>>) dst(%arg13 : memref<16x128xf32, #tpu.memory_space<vmem>>)
      %dma_start3A_116 = arith.constant 0 : i32
      %dma_start3A_117 = arith.constant 0 : i32
      %dma_start3A_118 = tpu.memref_slice %arg14[%dma_start3A_116, %dma_start3A_117] : memref<10000x128xf32, #tpu.memory_space<vmem_shared>> -> memref<10000x128xf32, #tpu.memory_space<vmem_shared>>
      tpu.enqueue_indirect_dma source(%arg13 : memref<16x128xf32, #tpu.memory_space<vmem>>) target(%dma_start3A_118 : memref<10000x128xf32, #tpu.memory_space<vmem_shared>>) offsets(%get3A_50 : vector<16xi32>) semaphore(%arg16 : memref<!tpu.dma_semaphore, #tpu.memory_space<semaphore_mem>>) {add = true}
      %dma_wait3A_119 = arith.constant 0 : i32
      %dma_wait3A_120 = arith.constant 0 : i32
      %dma_wait3A_121 = tpu.memref_slice %arg14[%dma_wait3A_119, %dma_wait3A_120] : memref<10000x128xf32, #tpu.memory_space<vmem_shared>> -> memref<10000x128xf32, #tpu.memory_space<vmem_shared>>
      tpu.wait_indirect_dma semaphore(%arg16 : memref<!tpu.dma_semaphore, #tpu.memory_space<semaphore_mem>>) src(%arg12 : memref<16x128xf32, #tpu.memory_space<vmem>>) dst(%dma_wait3A_121 : memref<10000x128xf32, #tpu.memory_space<vmem_shared>>)
      %dma_start3A_122 = arith.constant 0 : i32
      %dma_start3A_123 = arith.constant 0 : i32
      %dma_start3A_124 = tpu.memref_slice %arg2[%dma_start3A_122, %dma_start3A_123] : memref<81920x128xf32, #tpu.memory_space<hbm>> -> memref<81920x128xf32, #tpu.memory_space<hbm>>
      tpu.enqueue_indirect_dma source(%dma_start3A_124 : memref<81920x128xf32, #tpu.memory_space<hbm>>) target(%arg12 : memref<16x128xf32, #tpu.memory_space<vmem>>) offsets(%get3A_34 : vector<16xi32>) semaphore(%arg15 : memref<!tpu.dma_semaphore, #tpu.memory_space<semaphore_mem>>)
      %dma_wait3A_125 = arith.constant 0 : i32
      %dma_wait3A_126 = arith.constant 0 : i32
      %dma_wait3A_127 = tpu.memref_slice %arg7[%dma_wait3A_125, %dma_wait3A_126] : memref<16x16xf32, #tpu.memory_space<hbm>> -> memref<16x16xf32, #tpu.memory_space<hbm>>
      tpu.wait_indirect_dma semaphore(%arg19 : memref<!tpu.dma_semaphore, #tpu.memory_space<semaphore_mem>>) src(%dma_wait3A_127 : memref<16x16xf32, #tpu.memory_space<hbm>>) dst(%arg18 : memref<16x16xf32, #tpu.memory_space<vmem>>)
      %dma_start3A_128 = arith.constant 0 : i32
      %dma_start3A_129 = arith.constant 0 : i32
      %dma_start3A_130 = tpu.memref_slice %arg21[%dma_start3A_128, %dma_start3A_129] : memref<640x16xf32, #tpu.memory_space<vmem_shared>> -> memref<640x16xf32, #tpu.memory_space<vmem_shared>>
      tpu.enqueue_indirect_dma source(%arg18 : memref<16x16xf32, #tpu.memory_space<vmem>>) target(%dma_start3A_130 : memref<640x16xf32, #tpu.memory_space<vmem_shared>>) offsets(%shift_right_logical3A_83 : vector<16xi32>) semaphore(%arg20 : memref<!tpu.dma_semaphore, #tpu.memory_space<semaphore_mem>>) {add = true}
      %dma_wait3A_131 = arith.constant 0 : i32
      %dma_wait3A_132 = arith.constant 0 : i32
      %dma_wait3A_133 = tpu.memref_slice %arg21[%dma_wait3A_131, %dma_wait3A_132] : memref<640x16xf32, #tpu.memory_space<vmem_shared>> -> memref<640x16xf32, #tpu.memory_space<vmem_shared>>
      tpu.wait_indirect_dma semaphore(%arg20 : memref<!tpu.dma_semaphore, #tpu.memory_space<semaphore_mem>>) src(%arg17 : memref<16x16xf32, #tpu.memory_space<vmem>>) dst(%dma_wait3A_133 : memref<640x16xf32, #tpu.memory_space<vmem_shared>>)
      %dma_start3A_134 = arith.constant 0 : i32
      %dma_start3A_135 = arith.constant 0 : i32
      %dma_start3A_136 = tpu.memref_slice %arg7[%dma_start3A_134, %dma_start3A_135] : memref<16x16xf32, #tpu.memory_space<hbm>> -> memref<16x16xf32, #tpu.memory_space<hbm>>
      tpu.enqueue_indirect_dma source(%dma_start3A_136 : memref<16x16xf32, #tpu.memory_space<hbm>>) target(%arg17 : memref<16x16xf32, #tpu.memory_space<vmem>>) offsets(%and3A_72 : vector<16xi32>) semaphore(%arg19 : memref<!tpu.dma_semaphore, #tpu.memory_space<semaphore_mem>>)
      %dma_wait3A_137 = arith.constant 0 : i32
      %dma_wait3A_138 = arith.constant 0 : i32
      %dma_wait3A_139 = tpu.memref_slice %arg2[%dma_wait3A_137, %dma_wait3A_138] : memref<81920x128xf32, #tpu.memory_space<hbm>> -> memref<81920x128xf32, #tpu.memory_space<hbm>>
      tpu.wait_indirect_dma semaphore(%arg15 : memref<!tpu.dma_semaphore, #tpu.memory_space<semaphore_mem>>) src(%dma_wait3A_139 : memref<81920x128xf32, #tpu.memory_space<hbm>>) dst(%arg12 : memref<16x128xf32, #tpu.memory_space<vmem>>)
      %dma_start3A_140 = arith.constant 0 : i32
      %dma_start3A_141 = arith.constant 0 : i32
      %dma_start3A_142 = tpu.memref_slice %arg14[%dma_start3A_140, %dma_start3A_141] : memref<10000x128xf32, #tpu.memory_space<vmem_shared>> -> memref<10000x128xf32, #tpu.memory_space<vmem_shared>>
      tpu.enqueue_indirect_dma source(%arg12 : memref<16x128xf32, #tpu.memory_space<vmem>>) target(%dma_start3A_142 : memref<10000x128xf32, #tpu.memory_space<vmem_shared>>) offsets(%get3A_54 : vector<16xi32>) semaphore(%arg16 : memref<!tpu.dma_semaphore, #tpu.memory_space<semaphore_mem>>) {add = true}
      %dma_wait3A_143 = arith.constant 0 : i32
      %dma_wait3A_144 = arith.constant 0 : i32
      %dma_wait3A_145 = tpu.memref_slice %arg14[%dma_wait3A_143, %dma_wait3A_144] : memref<10000x128xf32, #tpu.memory_space<vmem_shared>> -> memref<10000x128xf32, #tpu.memory_space<vmem_shared>>
      tpu.wait_indirect_dma semaphore(%arg16 : memref<!tpu.dma_semaphore, #tpu.memory_space<semaphore_mem>>) src(%arg13 : memref<16x128xf32, #tpu.memory_space<vmem>>) dst(%dma_wait3A_145 : memref<10000x128xf32, #tpu.memory_space<vmem_shared>>)
      %dma_start3A_146 = arith.constant 0 : i32
      %dma_start3A_147 = arith.constant 0 : i32
      %dma_start3A_148 = tpu.memref_slice %arg2[%dma_start3A_146, %dma_start3A_147] : memref<81920x128xf32, #tpu.memory_space<hbm>> -> memref<81920x128xf32, #tpu.memory_space<hbm>>
      tpu.enqueue_indirect_dma source(%dma_start3A_148 : memref<81920x128xf32, #tpu.memory_space<hbm>>) target(%arg13 : memref<16x128xf32, #tpu.memory_space<vmem>>) offsets(%get3A_38 : vector<16xi32>) semaphore(%arg15 : memref<!tpu.dma_semaphore, #tpu.memory_space<semaphore_mem>>)
      %dma_wait3A_149 = arith.constant 0 : i32
      %dma_wait3A_150 = arith.constant 0 : i32
      %dma_wait3A_151 = tpu.memref_slice %arg7[%dma_wait3A_149, %dma_wait3A_150] : memref<16x16xf32, #tpu.memory_space<hbm>> -> memref<16x16xf32, #tpu.memory_space<hbm>>
      tpu.wait_indirect_dma semaphore(%arg19 : memref<!tpu.dma_semaphore, #tpu.memory_space<semaphore_mem>>) src(%dma_wait3A_151 : memref<16x16xf32, #tpu.memory_space<hbm>>) dst(%arg17 : memref<16x16xf32, #tpu.memory_space<vmem>>)
      %dma_start3A_152 = arith.constant 0 : i32
      %dma_start3A_153 = arith.constant 0 : i32
      %dma_start3A_154 = tpu.memref_slice %arg21[%dma_start3A_152, %dma_start3A_153] : memref<640x16xf32, #tpu.memory_space<vmem_shared>> -> memref<640x16xf32, #tpu.memory_space<vmem_shared>>
      tpu.enqueue_indirect_dma source(%arg17 : memref<16x16xf32, #tpu.memory_space<vmem>>) target(%dma_start3A_154 : memref<640x16xf32, #tpu.memory_space<vmem_shared>>) offsets(%shift_right_logical3A_86 : vector<16xi32>) semaphore(%arg20 : memref<!tpu.dma_semaphore, #tpu.memory_space<semaphore_mem>>) {add = true}
      %dma_wait3A_155 = arith.constant 0 : i32
      %dma_wait3A_156 = arith.constant 0 : i32
      %dma_wait3A_157 = tpu.memref_slice %arg21[%dma_wait3A_155, %dma_wait3A_156] : memref<640x16xf32, #tpu.memory_space<vmem_shared>> -> memref<640x16xf32, #tpu.memory_space<vmem_shared>>
      tpu.wait_indirect_dma semaphore(%arg20 : memref<!tpu.dma_semaphore, #tpu.memory_space<semaphore_mem>>) src(%arg18 : memref<16x16xf32, #tpu.memory_space<vmem>>) dst(%dma_wait3A_157 : memref<640x16xf32, #tpu.memory_space<vmem_shared>>)
      %dma_start3A_158 = arith.constant 0 : i32
      %dma_start3A_159 = arith.constant 0 : i32
      %dma_start3A_160 = tpu.memref_slice %arg7[%dma_start3A_158, %dma_start3A_159] : memref<16x16xf32, #tpu.memory_space<hbm>> -> memref<16x16xf32, #tpu.memory_space<hbm>>
      tpu.enqueue_indirect_dma source(%dma_start3A_160 : memref<16x16xf32, #tpu.memory_space<hbm>>) target(%arg18 : memref<16x16xf32, #tpu.memory_space<vmem>>) offsets(%and3A_75 : vector<16xi32>) semaphore(%arg19 : memref<!tpu.dma_semaphore, #tpu.memory_space<semaphore_mem>>)
      %dma_wait3A_161 = arith.constant 0 : i32
      %dma_wait3A_162 = arith.constant 0 : i32
      %dma_wait3A_163 = tpu.memref_slice %arg2[%dma_wait3A_161, %dma_wait3A_162] : memref<81920x128xf32, #tpu.memory_space<hbm>> -> memref<81920x128xf32, #tpu.memory_space<hbm>>
      tpu.wait_indirect_dma semaphore(%arg15 : memref<!tpu.dma_semaphore, #tpu.memory_space<semaphore_mem>>) src(%dma_wait3A_163 : memref<81920x128xf32, #tpu.memory_space<hbm>>) dst(%arg13 : memref<16x128xf32, #tpu.memory_space<vmem>>)
      %dma_start3A_164 = arith.constant 0 : i32
      %dma_start3A_165 = arith.constant 0 : i32
      %dma_start3A_166 = tpu.memref_slice %arg14[%dma_start3A_164, %dma_start3A_165] : memref<10000x128xf32, #tpu.memory_space<vmem_shared>> -> memref<10000x128xf32, #tpu.memory_space<vmem_shared>>
      tpu.enqueue_indirect_dma source(%arg13 : memref<16x128xf32, #tpu.memory_space<vmem>>) target(%dma_start3A_166 : memref<10000x128xf32, #tpu.memory_space<vmem_shared>>) offsets(%get3A_58 : vector<16xi32>) semaphore(%arg16 : memref<!tpu.dma_semaphore, #tpu.memory_space<semaphore_mem>>) {add = true}
      %dma_wait3A_167 = arith.constant 0 : i32
      %dma_wait3A_168 = arith.constant 0 : i32
      %dma_wait3A_169 = tpu.memref_slice %arg14[%dma_wait3A_167, %dma_wait3A_168] : memref<10000x128xf32, #tpu.memory_space<vmem_shared>> -> memref<10000x128xf32, #tpu.memory_space<vmem_shared>>
      tpu.wait_indirect_dma semaphore(%arg16 : memref<!tpu.dma_semaphore, #tpu.memory_space<semaphore_mem>>) src(%arg12 : memref<16x128xf32, #tpu.memory_space<vmem>>) dst(%dma_wait3A_169 : memref<10000x128xf32, #tpu.memory_space<vmem_shared>>)
      %dma_start3A_170 = arith.constant 0 : i32
      %dma_start3A_171 = arith.constant 0 : i32
      %dma_start3A_172 = tpu.memref_slice %arg2[%dma_start3A_170, %dma_start3A_171] : memref<81920x128xf32, #tpu.memory_space<hbm>> -> memref<81920x128xf32, #tpu.memory_space<hbm>>
      tpu.enqueue_indirect_dma source(%dma_start3A_172 : memref<81920x128xf32, #tpu.memory_space<hbm>>) target(%arg12 : memref<16x128xf32, #tpu.memory_space<vmem>>) offsets(%get3A_42 : vector<16xi32>) semaphore(%arg15 : memref<!tpu.dma_semaphore, #tpu.memory_space<semaphore_mem>>)
      %dma_wait3A_173 = arith.constant 0 : i32
      %dma_wait3A_174 = arith.constant 0 : i32
      %dma_wait3A_175 = tpu.memref_slice %arg7[%dma_wait3A_173, %dma_wait3A_174] : memref<16x16xf32, #tpu.memory_space<hbm>> -> memref<16x16xf32, #tpu.memory_space<hbm>>
      tpu.wait_indirect_dma semaphore(%arg19 : memref<!tpu.dma_semaphore, #tpu.memory_space<semaphore_mem>>) src(%dma_wait3A_175 : memref<16x16xf32, #tpu.memory_space<hbm>>) dst(%arg18 : memref<16x16xf32, #tpu.memory_space<vmem>>)
      %dma_start3A_176 = arith.constant 0 : i32
      %dma_start3A_177 = arith.constant 0 : i32
      %dma_start3A_178 = tpu.memref_slice %arg21[%dma_start3A_176, %dma_start3A_177] : memref<640x16xf32, #tpu.memory_space<vmem_shared>> -> memref<640x16xf32, #tpu.memory_space<vmem_shared>>
      tpu.enqueue_indirect_dma source(%arg18 : memref<16x16xf32, #tpu.memory_space<vmem>>) target(%dma_start3A_178 : memref<640x16xf32, #tpu.memory_space<vmem_shared>>) offsets(%shift_right_logical3A_89 : vector<16xi32>) semaphore(%arg20 : memref<!tpu.dma_semaphore, #tpu.memory_space<semaphore_mem>>) {add = true}
      %dma_wait3A_179 = arith.constant 0 : i32
      %dma_wait3A_180 = arith.constant 0 : i32
      %dma_wait3A_181 = tpu.memref_slice %arg21[%dma_wait3A_179, %dma_wait3A_180] : memref<640x16xf32, #tpu.memory_space<vmem_shared>> -> memref<640x16xf32, #tpu.memory_space<vmem_shared>>
      tpu.wait_indirect_dma semaphore(%arg20 : memref<!tpu.dma_semaphore, #tpu.memory_space<semaphore_mem>>) src(%arg17 : memref<16x16xf32, #tpu.memory_space<vmem>>) dst(%dma_wait3A_181 : memref<640x16xf32, #tpu.memory_space<vmem_shared>>)
      %dma_start3A_182 = arith.constant 0 : i32
      %dma_start3A_183 = arith.constant 0 : i32
      %dma_start3A_184 = tpu.memref_slice %arg7[%dma_start3A_182, %dma_start3A_183] : memref<16x16xf32, #tpu.memory_space<hbm>> -> memref<16x16xf32, #tpu.memory_space<hbm>>
      tpu.enqueue_indirect_dma source(%dma_start3A_184 : memref<16x16xf32, #tpu.memory_space<hbm>>) target(%arg17 : memref<16x16xf32, #tpu.memory_space<vmem>>) offsets(%and3A_78 : vector<16xi32>) semaphore(%arg19 : memref<!tpu.dma_semaphore, #tpu.memory_space<semaphore_mem>>)
      %dma_wait3A_185 = arith.constant 0 : i32
      %dma_wait3A_186 = arith.constant 0 : i32
      %dma_wait3A_187 = tpu.memref_slice %arg2[%dma_wait3A_185, %dma_wait3A_186] : memref<81920x128xf32, #tpu.memory_space<hbm>> -> memref<81920x128xf32, #tpu.memory_space<hbm>>
      tpu.wait_indirect_dma semaphore(%arg15 : memref<!tpu.dma_semaphore, #tpu.memory_space<semaphore_mem>>) src(%dma_wait3A_187 : memref<81920x128xf32, #tpu.memory_space<hbm>>) dst(%arg12 : memref<16x128xf32, #tpu.memory_space<vmem>>)
      %dma_start3A_188 = arith.constant 0 : i32
      %dma_start3A_189 = arith.constant 0 : i32
      %dma_start3A_190 = tpu.memref_slice %arg14[%dma_start3A_188, %dma_start3A_189] : memref<10000x128xf32, #tpu.memory_space<vmem_shared>> -> memref<10000x128xf32, #tpu.memory_space<vmem_shared>>
      tpu.enqueue_indirect_dma source(%arg12 : memref<16x128xf32, #tpu.memory_space<vmem>>) target(%dma_start3A_190 : memref<10000x128xf32, #tpu.memory_space<vmem_shared>>) offsets(%get3A_62 : vector<16xi32>) semaphore(%arg16 : memref<!tpu.dma_semaphore, #tpu.memory_space<semaphore_mem>>) {add = true}
      %dma_wait3A_191 = arith.constant 0 : i32
      %dma_wait3A_192 = arith.constant 0 : i32
      %dma_wait3A_193 = tpu.memref_slice %arg7[%dma_wait3A_191, %dma_wait3A_192] : memref<16x16xf32, #tpu.memory_space<hbm>> -> memref<16x16xf32, #tpu.memory_space<hbm>>
      tpu.wait_indirect_dma semaphore(%arg19 : memref<!tpu.dma_semaphore, #tpu.memory_space<semaphore_mem>>) src(%dma_wait3A_193 : memref<16x16xf32, #tpu.memory_space<hbm>>) dst(%arg17 : memref<16x16xf32, #tpu.memory_space<vmem>>)
      %dma_start3A_194 = arith.constant 0 : i32
      %dma_start3A_195 = arith.constant 0 : i32
      %dma_start3A_196 = tpu.memref_slice %arg21[%dma_start3A_194, %dma_start3A_195] : memref<640x16xf32, #tpu.memory_space<vmem_shared>> -> memref<640x16xf32, #tpu.memory_space<vmem_shared>>
      tpu.enqueue_indirect_dma source(%arg17 : memref<16x16xf32, #tpu.memory_space<vmem>>) target(%dma_start3A_196 : memref<640x16xf32, #tpu.memory_space<vmem_shared>>) offsets(%shift_right_logical3A_92 : vector<16xi32>) semaphore(%arg20 : memref<!tpu.dma_semaphore, #tpu.memory_space<semaphore_mem>>) {add = true}
      %dma_wait3A_197 = arith.constant 0 : i32
      %dma_wait3A_198 = arith.constant 0 : i32
      %dma_wait3A_199 = tpu.memref_slice %arg14[%dma_wait3A_197, %dma_wait3A_198] : memref<10000x128xf32, #tpu.memory_space<vmem_shared>> -> memref<10000x128xf32, #tpu.memory_space<vmem_shared>>
      tpu.wait_indirect_dma semaphore(%arg16 : memref<!tpu.dma_semaphore, #tpu.memory_space<semaphore_mem>>) src(%arg13 : memref<16x128xf32, #tpu.memory_space<vmem>>) dst(%dma_wait3A_199 : memref<10000x128xf32, #tpu.memory_space<vmem_shared>>)
      %dma_wait3A_200 = arith.constant 0 : i32
      %dma_wait3A_201 = arith.constant 0 : i32
      %dma_wait3A_202 = tpu.memref_slice %arg14[%dma_wait3A_200, %dma_wait3A_201] : memref<10000x128xf32, #tpu.memory_space<vmem_shared>> -> memref<10000x128xf32, #tpu.memory_space<vmem_shared>>
      tpu.wait_indirect_dma semaphore(%arg16 : memref<!tpu.dma_semaphore, #tpu.memory_space<semaphore_mem>>) src(%arg12 : memref<16x128xf32, #tpu.memory_space<vmem>>) dst(%dma_wait3A_202 : memref<10000x128xf32, #tpu.memory_space<vmem_shared>>)
      %dma_wait3A_203 = arith.constant 0 : i32
      %dma_wait3A_204 = arith.constant 0 : i32
      %dma_wait3A_205 = tpu.memref_slice %arg21[%dma_wait3A_203, %dma_wait3A_204] : memref<640x16xf32, #tpu.memory_space<vmem_shared>> -> memref<640x16xf32, #tpu.memory_space<vmem_shared>>
      tpu.wait_indirect_dma semaphore(%arg20 : memref<!tpu.dma_semaphore, #tpu.memory_space<semaphore_mem>>) src(%arg18 : memref<16x16xf32, #tpu.memory_space<vmem>>) dst(%dma_wait3A_205 : memref<640x16xf32, #tpu.memory_space<vmem_shared>>)
      %dma_wait3A_206 = arith.constant 0 : i32
      %dma_wait3A_207 = arith.constant 0 : i32
      %dma_wait3A_208 = tpu.memref_slice %arg21[%dma_wait3A_206, %dma_wait3A_207] : memref<640x16xf32, #tpu.memory_space<vmem_shared>> -> memref<640x16xf32, #tpu.memory_space<vmem_shared>>
      tpu.wait_indirect_dma semaphore(%arg20 : memref<!tpu.dma_semaphore, #tpu.memory_space<semaphore_mem>>) src(%arg17 : memref<16x16xf32, #tpu.memory_space<vmem>>) dst(%dma_wait3A_208 : memref<640x16xf32, #tpu.memory_space<vmem_shared>>)
    }
    %scan3A_11 = arith.constant 125 : i32
    %barrier3A_12 = arith.constant 0 : index
    tpu.barrier barrier_id(%barrier3A_12)
    %lt3A_13 = arith.constant 10 : i32
    %lt3A_14 = arith.cmpi slt, %arg1, %lt3A_13 : i32
    %convert_element_type3A_15 = arith.extui %lt3A_14 : i1 to i32
    %cond3A_16 = arith.constant 0 : i32
    %cond3A_17 = arith.cmpi ne, %convert_element_type3A_15, %cond3A_16 : i32
    scf.if %cond3A_17 {
      %mul3A_23 = arith.constant 1000 : i32
      %mul3A_24 = arith.muli %arg1, %mul3A_23 : i32
      "tpu.region"() ({
        %run_scoped3A = tpu.sem_alloc : memref<!tpu.dma_semaphore, #tpu.memory_space<semaphore_mem>>
        %dma_start3A = arith.constant 0 : i32
        %dma_start3A_25 = tpu.memref_slice %arg8[%arg0, %mul3A_24, %dma_start3A] : memref<2x10240x128xf32, #tpu.memory_space<hbm>> -> memref<1x1000x128xf32, #tpu.memory_space<hbm>>
        %dma_start3A_26 = tpu.memref_squeeze %dma_start3A_25 : memref<1x1000x128xf32, #tpu.memory_space<hbm>> -> memref<1000x128xf32, #tpu.memory_space<hbm>>
        %dma_start3A_27 = arith.constant 0 : i32
        %dma_start3A_28 = tpu.memref_slice %arg14[%mul3A_24, %dma_start3A_27] : memref<10000x128xf32, #tpu.memory_space<vmem_shared>> -> memref<1000x128xf32, #tpu.memory_space<vmem_shared>>
        tpu.enqueue_dma source(%dma_start3A_28 : memref<1000x128xf32, #tpu.memory_space<vmem_shared>>) target(%dma_start3A_26 : memref<1000x128xf32, #tpu.memory_space<hbm>>) target_semaphore(%run_scoped3A : memref<!tpu.dma_semaphore, #tpu.memory_space<semaphore_mem>>)
        %dma_wait3A = arith.constant 0 : i32
        %dma_wait3A_29 = tpu.memref_slice %arg8[%arg0, %mul3A_24, %dma_wait3A] : memref<2x10240x128xf32, #tpu.memory_space<hbm>> -> memref<1x1000x128xf32, #tpu.memory_space<hbm>>
        %dma_wait3A_30 = tpu.memref_squeeze %dma_wait3A_29 : memref<1x1000x128xf32, #tpu.memory_space<hbm>> -> memref<1000x128xf32, #tpu.memory_space<hbm>>
        %dma_wait3A_31 = arith.constant 0 : i32
        %dma_wait3A_32 = tpu.memref_slice %arg14[%mul3A_24, %dma_wait3A_31] : memref<10000x128xf32, #tpu.memory_space<vmem_shared>> -> memref<1000x128xf32, #tpu.memory_space<vmem_shared>>
        tpu.wait_dma2 semaphore(%run_scoped3A : memref<!tpu.dma_semaphore, #tpu.memory_space<semaphore_mem>>) src(%dma_wait3A_32 : memref<1000x128xf32, #tpu.memory_space<vmem_shared>>) dst(%dma_wait3A_30 : memref<1000x128xf32, #tpu.memory_space<hbm>>)
        tpu.yield
      }) : () -> ()
    } else {
    }
    %eq3A_18 = arith.constant 10 : i32
    %eq3A_19 = arith.cmpi eq, %arg1, %eq3A_18 : i32
    %convert_element_type3A_20 = arith.extui %eq3A_19 : i1 to i32
    %cond3A_21 = arith.constant 0 : i32
    %cond3A_22 = arith.cmpi ne, %convert_element_type3A_20, %cond3A_21 : i32
    scf.if %cond3A_22 {
      "tpu.region"() ({
        %run_scoped3A = tpu.sem_alloc : memref<!tpu.dma_semaphore, #tpu.memory_space<semaphore_mem>>
        %dma_start3A = arith.constant 0 : i32
        %dma_start3A_23 = arith.constant 0 : i32
        %dma_start3A_24 = tpu.memref_slice %arg9[%arg0, %dma_start3A, %dma_start3A_23] : memref<2x640x16xf32, #tpu.memory_space<hbm>> -> memref<1x640x16xf32, #tpu.memory_space<hbm>>
        %dma_start3A_25 = tpu.memref_squeeze %dma_start3A_24 : memref<1x640x16xf32, #tpu.memory_space<hbm>> -> memref<640x16xf32, #tpu.memory_space<hbm>>
        tpu.enqueue_dma source(%arg21 : memref<640x16xf32, #tpu.memory_space<vmem_shared>>) target(%dma_start3A_25 : memref<640x16xf32, #tpu.memory_space<hbm>>) target_semaphore(%run_scoped3A : memref<!tpu.dma_semaphore, #tpu.memory_space<semaphore_mem>>)
        %dma_wait3A = arith.constant 0 : i32
        %dma_wait3A_26 = arith.constant 0 : i32
        %dma_wait3A_27 = tpu.memref_slice %arg9[%arg0, %dma_wait3A, %dma_wait3A_26] : memref<2x640x16xf32, #tpu.memory_space<hbm>> -> memref<1x640x16xf32, #tpu.memory_space<hbm>>
        %dma_wait3A_28 = tpu.memref_squeeze %dma_wait3A_27 : memref<1x640x16xf32, #tpu.memory_space<hbm>> -> memref<640x16xf32, #tpu.memory_space<hbm>>
        tpu.wait_dma2 semaphore(%run_scoped3A : memref<!tpu.dma_semaphore, #tpu.memory_space<semaphore_mem>>) src(%arg21 : memref<640x16xf32, #tpu.memory_space<vmem_shared>>) dst(%dma_wait3A_28 : memref<640x16xf32, #tpu.memory_space<hbm>>)
        tpu.yield
      }) : () -> ()
    } else {
    }
    return
  }
}

module attributes {stable_mosaic.version = 14 : i64} {
  func.func @_edge_idx_body(%arg0: i32, %arg1: memref<1x125x80xi32, #tpu.memory_space<vmem>>, %arg2: memref<1x125x80xi32, #tpu.memory_space<vmem>>, %arg3: memref<1x125x80xi32, #tpu.memory_space<vmem>>) attributes {dimension_semantics = [#tpu.dimension_semantics<arbitrary>], iteration_bounds = array<i64: 32>, scalar_prefetch = 0 : i64, scratch_operands = 0 : i64, tpu.core_type = #tpu.core_type<tc>, window_params = [{transform_indices = @transform_0, window_bounds = array<i64: 1, 125, 80>}, {transform_indices = @transform_1, window_bounds = array<i64: 1, 125, 80>}, {transform_indices = @transform_2, window_bounds = array<i64: 1, 125, 80>}]} {
    %get3A = arith.constant 0 : index
    %get3A_0 = arith.constant 0 : index
    %get3A_1 = arith.constant 0 : index
    %get3A_2 = vector.load %arg2[%get3A, %get3A_0, %get3A_1] : memref<1x125x80xi32, #tpu.memory_space<vmem>>, vector<1x125x80xi32>
    %mul3A = arith.constant 10240 : i32
    %mul3A_3 = vector.broadcast %mul3A : i32 to vector<1x125x80xi32>
    %mul3A_4 = arith.muli %get3A_2, %mul3A_3 : vector<1x125x80xi32>
    %get3A_5 = arith.constant 0 : index
    %get3A_6 = arith.constant 0 : index
    %get3A_7 = arith.constant 0 : index
    %get3A_8 = vector.load %arg1[%get3A_5, %get3A_6, %get3A_7] : memref<1x125x80xi32, #tpu.memory_space<vmem>>, vector<1x125x80xi32>
    %add3A = arith.addi %mul3A_4, %get3A_8 : vector<1x125x80xi32>
    %swap3A = arith.constant 0 : index
    %swap3A_9 = arith.constant 0 : index
    %swap3A_10 = arith.constant 0 : index
    %swap3A_11 = vector.load %arg3[%swap3A, %swap3A_9, %swap3A_10] : memref<1x125x80xi32, #tpu.memory_space<vmem>>, vector<1x125x80xi32>
    tpu.vector_store %arg3[%swap3A, %swap3A_9, %swap3A_10], %add3A {strides = array<i32>} : memref<1x125x80xi32, #tpu.memory_space<vmem>>, vector<1x125x80xi32>,
    return
  }
  func.func @transform_0(%arg0: i32) -> (i32, i32, i32) {
    %c0_i32 = arith.constant 0 : i32
    %c0_i32_0 = arith.constant 0 : i32
    %c0_i32_1 = arith.constant 0 : i32
    return %arg0, %c0_i32, %c0_i32_0 : i32, i32, i32
  }
  func.func @transform_1(%arg0: i32) -> (i32, i32, i32) {
    %c0_i32 = arith.constant 0 : i32
    %c0_i32_0 = arith.constant 0 : i32
    %c0_i32_1 = arith.constant 0 : i32
    return %arg0, %c0_i32, %c0_i32_0 : i32, i32, i32
  }
  func.func @transform_2(%arg0: i32) -> (i32, i32, i32) {
    %c0_i32 = arith.constant 0 : i32
    %c0_i32_0 = arith.constant 0 : i32
    %c0_i32_1 = arith.constant 0 : i32
    return %arg0, %c0_i32, %c0_i32_0 : i32, i32, i32
  }
}

module attributes {stable_mosaic.version = 14 : i64} {
  func.func @_table1_body(%arg0: i32, %arg1: i32, %arg2: memref<2048x128xf32, #tpu.memory_space<vmem>>, %arg3: memref<1x128x128xf32, #tpu.memory_space<vmem>>, %arg4: memref<1x2048x128xf32, #tpu.memory_space<vmem>>) attributes {dimension_semantics = [#tpu.dimension_semantics<arbitrary>, #tpu.dimension_semantics<arbitrary>], iteration_bounds = array<i64: 8, 5>, scalar_prefetch = 0 : i64, scratch_operands = 0 : i64, tpu.core_type = #tpu.core_type<tc>, window_params = [{transform_indices = @transform_0, window_bounds = array<i64: 2048, 128>}, {transform_indices = @transform_1, window_bounds = array<i64: 1, 128, 128>}, {transform_indices = @transform_2, window_bounds = array<i64: 1, 2048, 128>}]} {
    %get3A = arith.constant 0 : index
    %get3A_0 = arith.constant 0 : index
    %get3A_1 = vector.load %arg2[%get3A, %get3A_0] : memref<2048x128xf32, #tpu.memory_space<vmem>>, vector<2048x128xf32>
    %get3A_2 = arith.constant 0 : index
    %get3A_3 = arith.constant 0 : index
    %get3A_4 = arith.constant 0 : index
    %get3A_5 = vector.load %arg3[%get3A_2, %get3A_3, %get3A_4] : memref<1x128x128xf32, #tpu.memory_space<vmem>>, vector<1x128x128xf32>
    %get3A_6 = vector.shape_cast %get3A_5 : vector<1x128x128xf32> to vector<128x128xf32>
    %dot_general3A = arith.constant dense<0.000000e+00> : vector<2048x128xf32>
    %dot_general3A_7 = tpu.matmul %get3A_1, %get3A_6, %dot_general3A {dimension_numbers = #tpu.dot_dimension_numbers<[1], [0], [0], [1], [0, 0, 1, 1], [], []>, transpose_lhs_hint = false} : vector<2048x128xf32>, vector<128x128xf32>, vector<2048x128xf32> -> vector<2048x128xf32>
    %swap3A = arith.constant 0 : index
    %swap3A_8 = arith.constant 0 : index
    %swap3A_9 = arith.constant 0 : index
    %swap3A_10 = vector.load %arg4[%swap3A, %swap3A_8, %swap3A_9] : memref<1x2048x128xf32, #tpu.memory_space<vmem>>, vector<1x2048x128xf32>
    %swap3A_11 = vector.shape_cast %swap3A_10 : vector<1x2048x128xf32> to vector<2048x128xf32>
    %swap3A_12 = vector.shape_cast %dot_general3A_7 : vector<2048x128xf32> to vector<1x2048x128xf32>
    tpu.vector_store %arg4[%swap3A, %swap3A_8, %swap3A_9], %swap3A_12 {strides = array<i32>} : memref<1x2048x128xf32, #tpu.memory_space<vmem>>, vector<1x2048x128xf32>,
    return
  }
  func.func @transform_0(%arg0: i32, %arg1: i32) -> (i32, i32) {
    %c0_i32 = arith.constant 0 : i32
    %c0_i32_0 = arith.constant 0 : i32
    return %arg1, %c0_i32 : i32, i32
  }
  func.func @transform_1(%arg0: i32, %arg1: i32) -> (i32, i32, i32) {
    %c0_i32 = arith.constant 0 : i32
    %c0_i32_0 = arith.constant 0 : i32
    %c0_i32_1 = arith.constant 0 : i32
    return %arg0, %c0_i32, %c0_i32_0 : i32, i32, i32
  }
  func.func @transform_2(%arg0: i32, %arg1: i32) -> (i32, i32, i32) {
    %c0_i32 = arith.constant 0 : i32
    %c0_i32_0 = arith.constant 0 : i32
    return %arg0, %arg1, %c0_i32 : i32, i32, i32
  }
}

module attributes {stable_mosaic.version = 14 : i64} {
  func.func @_layer2_body(%arg0: i32, %arg1: i32, %arg2: memref<2x2048x128xf32, #tpu.memory_space<vmem>>, %arg3: memref<2x2048x1xf32, #tpu.memory_space<vmem>>, %arg4: memref<1x128x64xf32, #tpu.memory_space<vmem>>, %arg5: memref<1x2048x64xf32, #tpu.memory_space<vmem>>, %arg6: memref<2048x1xf32, #tpu.memory_space<vmem>>) attributes {dimension_semantics = [#tpu.dimension_semantics<arbitrary>, #tpu.dimension_semantics<arbitrary>], iteration_bounds = array<i64: 8, 5>, scalar_prefetch = 0 : i64, scratch_operands = 0 : i64, tpu.core_type = #tpu.core_type<tc>, window_params = [{transform_indices = @transform_0, window_bounds = array<i64: 2, 2048, 128>}, {transform_indices = @transform_1, window_bounds = array<i64: 2, 2048, 1>}, {transform_indices = @transform_2, window_bounds = array<i64: 1, 128, 64>}, {transform_indices = @transform_3, window_bounds = array<i64: 1, 2048, 64>}, {transform_indices = @transform_4, window_bounds = array<i64: 2048, 1>}]} {
    %get3A = arith.constant 0 : index
    %get3A_0 = arith.constant 0 : index
    %get3A_1 = arith.constant 0 : index
    %get3A_2 = vector.load %arg3[%get3A, %get3A_0, %get3A_1] : memref<2x2048x1xf32, #tpu.memory_space<vmem>>, vector<1x2048x1xf32>
    %get3A_3 = vector.shape_cast %get3A_2 : vector<1x2048x1xf32> to vector<2048x1xf32>
    %get3A_4 = arith.constant 1 : index
    %get3A_5 = arith.constant 0 : index
    %get3A_6 = arith.constant 0 : index
    %get3A_7 = vector.load %arg3[%get3A_4, %get3A_5, %get3A_6] : memref<2x2048x1xf32, #tpu.memory_space<vmem>>, vector<1x2048x1xf32>
    %get3A_8 = vector.shape_cast %get3A_7 : vector<1x2048x1xf32> to vector<2048x1xf32>
    %add3A = arith.addf %get3A_3, %get3A_8 : vector<2048x1xf32>
    %max3A = arith.constant 1.000000e+00 : f32
    %max3A_9 = vector.broadcast %max3A : f32 to vector<2048x1xf32>
    %max3A_10 = arith.maximumf %add3A, %max3A_9 : vector<2048x1xf32>
    %div3A = arith.constant 1.000000e+00 : f32
    %div3A_11 = vector.broadcast %div3A : f32 to vector<2048x1xf32>
    %div3A_12 = arith.divf %div3A_11, %max3A_10 : vector<2048x1xf32>
    %get3A_13 = arith.constant 0 : index
    %get3A_14 = arith.constant 0 : index
    %get3A_15 = arith.constant 0 : index
    %get3A_16 = vector.load %arg2[%get3A_13, %get3A_14, %get3A_15] : memref<2x2048x128xf32, #tpu.memory_space<vmem>>, vector<1x2048x128xf32>
    %get3A_17 = vector.shape_cast %get3A_16 : vector<1x2048x128xf32> to vector<2048x128xf32>
    %get3A_18 = arith.constant 1 : index
    %get3A_19 = arith.constant 0 : index
    %get3A_20 = arith.constant 0 : index
    %get3A_21 = vector.load %arg2[%get3A_18, %get3A_19, %get3A_20] : memref<2x2048x128xf32, #tpu.memory_space<vmem>>, vector<1x2048x128xf32>
    %get3A_22 = vector.shape_cast %get3A_21 : vector<1x2048x128xf32> to vector<2048x128xf32>
    %add3A_23 = arith.addf %get3A_17, %get3A_22 : vector<2048x128xf32>
    %mul3A = vector.broadcast %div3A_12 : vector<2048x1xf32> to vector<2048x128xf32>
    %mul3A_24 = arith.mulf %add3A_23, %mul3A : vector<2048x128xf32>
    %max3A_25 = arith.constant 0.000000e+00 : f32
    %max3A_26 = vector.broadcast %max3A_25 : f32 to vector<2048x128xf32>
    %max3A_27 = arith.maximumf %mul3A_24, %max3A_26 : vector<2048x128xf32>
    %get3A_28 = arith.constant 0 : index
    %get3A_29 = arith.constant 0 : index
    %get3A_30 = arith.constant 0 : index
    %get3A_31 = vector.load %arg4[%get3A_28, %get3A_29, %get3A_30] : memref<1x128x64xf32, #tpu.memory_space<vmem>>, vector<1x128x64xf32>
    %get3A_32 = vector.shape_cast %get3A_31 : vector<1x128x64xf32> to vector<128x64xf32>
    %dot_general3A = arith.constant dense<0.000000e+00> : vector<2048x64xf32>
    %dot_general3A_33 = tpu.matmul %max3A_27, %get3A_32, %dot_general3A {dimension_numbers = #tpu.dot_dimension_numbers<[1], [0], [0], [1], [0, 0, 1, 1], [], []>, transpose_lhs_hint = false} : vector<2048x128xf32>, vector<128x64xf32>, vector<2048x64xf32> -> vector<2048x64xf32>
    %swap3A = arith.constant 0 : index
    %swap3A_34 = arith.constant 0 : index
    %swap3A_35 = arith.constant 0 : index
    %swap3A_36 = vector.load %arg5[%swap3A, %swap3A_34, %swap3A_35] : memref<1x2048x64xf32, #tpu.memory_space<vmem>>, vector<1x2048x64xf32>
    %swap3A_37 = vector.shape_cast %swap3A_36 : vector<1x2048x64xf32> to vector<2048x64xf32>
    %swap3A_38 = vector.shape_cast %dot_general3A_33 : vector<2048x64xf32> to vector<1x2048x64xf32>
    tpu.vector_store %arg5[%swap3A, %swap3A_34, %swap3A_35], %swap3A_38 {strides = array<i32>} : memref<1x2048x64xf32, #tpu.memory_space<vmem>>, vector<1x2048x64xf32>,
    %swap3A_39 = arith.constant 0 : index
    %swap3A_40 = arith.constant 0 : index
    %swap3A_41 = vector.load %arg6[%swap3A_39, %swap3A_40] : memref<2048x1xf32, #tpu.memory_space<vmem>>, vector<2048x1xf32>
    tpu.vector_store %arg6[%swap3A_39, %swap3A_40], %div3A_12 {strides = array<i32>} : memref<2048x1xf32, #tpu.memory_space<vmem>>, vector<2048x1xf32>,
    return
  }
  func.func @transform_0(%arg0: i32, %arg1: i32) -> (i32, i32, i32) {
    %c0_i32 = arith.constant 0 : i32
    %c0_i32_0 = arith.constant 0 : i32
    %c0_i32_1 = arith.constant 0 : i32
    return %c0_i32, %arg1, %c0_i32_0 : i32, i32, i32
  }
  func.func @transform_1(%arg0: i32, %arg1: i32) -> (i32, i32, i32) {
    %c0_i32 = arith.constant 0 : i32
    %c0_i32_0 = arith.constant 0 : i32
    %c0_i32_1 = arith.constant 0 : i32
    return %c0_i32, %arg1, %c0_i32_0 : i32, i32, i32
  }
  func.func @transform_2(%arg0: i32, %arg1: i32) -> (i32, i32, i32) {
    %c0_i32 = arith.constant 0 : i32
    %c0_i32_0 = arith.constant 0 : i32
    %c0_i32_1 = arith.constant 0 : i32
    return %arg0, %c0_i32, %c0_i32_0 : i32, i32, i32
  }
  func.func @transform_3(%arg0: i32, %arg1: i32) -> (i32, i32, i32) {
    %c0_i32 = arith.constant 0 : i32
    %c0_i32_0 = arith.constant 0 : i32
    return %arg0, %arg1, %c0_i32 : i32, i32, i32
  }
  func.func @transform_4(%arg0: i32, %arg1: i32) -> (i32, i32) {
    %c0_i32 = arith.constant 0 : i32
    %c0_i32_0 = arith.constant 0 : i32
    return %arg1, %c0_i32 : i32, i32
  }
}

module attributes {stable_mosaic.version = 14 : i64} {
  func.func @_final_body(%arg0: i32, %arg1: memref<2x2000x64xf32, #tpu.memory_space<vmem>>, %arg2: memref<2000x1xf32, #tpu.memory_space<vmem>>, %arg3: memref<2000x64xf32, #tpu.memory_space<vmem>>) attributes {dimension_semantics = [#tpu.dimension_semantics<arbitrary>], iteration_bounds = array<i64: 5>, scalar_prefetch = 0 : i64, scratch_operands = 0 : i64, tpu.core_type = #tpu.core_type<tc>, window_params = [{transform_indices = @transform_0, window_bounds = array<i64: 2, 2000, 64>}, {transform_indices = @transform_1, window_bounds = array<i64: 2000, 1>}, {transform_indices = @transform_2, window_bounds = array<i64: 2000, 64>}]} {
    %get3A = arith.constant 0 : index
    %get3A_0 = arith.constant 0 : index
    %get3A_1 = arith.constant 0 : index
    %get3A_2 = vector.load %arg1[%get3A, %get3A_0, %get3A_1] : memref<2x2000x64xf32, #tpu.memory_space<vmem>>, vector<1x2000x64xf32>
    %get3A_3 = vector.shape_cast %get3A_2 : vector<1x2000x64xf32> to vector<2000x64xf32>
    %get3A_4 = arith.constant 1 : index
    %get3A_5 = arith.constant 0 : index
    %get3A_6 = arith.constant 0 : index
    %get3A_7 = vector.load %arg1[%get3A_4, %get3A_5, %get3A_6] : memref<2x2000x64xf32, #tpu.memory_space<vmem>>, vector<1x2000x64xf32>
    %get3A_8 = vector.shape_cast %get3A_7 : vector<1x2000x64xf32> to vector<2000x64xf32>
    %add3A = arith.addf %get3A_3, %get3A_8 : vector<2000x64xf32>
    %get3A_9 = arith.constant 0 : index
    %get3A_10 = arith.constant 0 : index
    %get3A_11 = vector.load %arg2[%get3A_9, %get3A_10] : memref<2000x1xf32, #tpu.memory_space<vmem>>, vector<2000x1xf32>
    %mul3A = vector.broadcast %get3A_11 : vector<2000x1xf32> to vector<2000x64xf32>
    %mul3A_12 = arith.mulf %add3A, %mul3A : vector<2000x64xf32>
    %swap3A = arith.constant 0 : index
    %swap3A_13 = arith.constant 0 : index
    %swap3A_14 = vector.load %arg3[%swap3A, %swap3A_13] : memref<2000x64xf32, #tpu.memory_space<vmem>>, vector<2000x64xf32>
    tpu.vector_store %arg3[%swap3A, %swap3A_13], %mul3A_12 {strides = array<i32>} : memref<2000x64xf32, #tpu.memory_space<vmem>>, vector<2000x64xf32>,
    return
  }
  func.func @transform_0(%arg0: i32) -> (i32, i32, i32) {
    %c0_i32 = arith.constant 0 : i32
    %c0_i32_0 = arith.constant 0 : i32
    %c0_i32_1 = arith.constant 0 : i32
    return %c0_i32, %arg0, %c0_i32_0 : i32, i32, i32
  }
  func.func @transform_1(%arg0: i32) -> (i32, i32) {
    %c0_i32 = arith.constant 0 : i32
    %c0_i32_0 = arith.constant 0 : i32
    return %arg0, %c0_i32 : i32, i32
  }
  func.func @transform_2(%arg0: i32) -> (i32, i32) {
    %c0_i32 = arith.constant 0 : i32
    %c0_i32_0 = arith.constant 0 : i32
    return %arg0, %c0_i32 : i32, i32
  }
}

</mosaic_0001>

<sc_bundles>
// kernel: kernel.12.cloned.1.call-start
scs
__scs_entry_jumppad:
0x0: {  	(pc) =	sbr.rel $0x88, $3  }
0x1: {  	(tag) =	ssettag $0x0;
	lr =	simm.s32 $0x1  }
0x2: {  	[smem:$0x3F9B] =	sst lr;
	_ =	strace $0xD0000000  }
0x3: {  	_ = 	snop  }
0x4: {  	_ = 	snop  }
0x5: {  	_ = 	snop  }
0x6: {  	_ = 	snop  }
0x7: {  	_ = 	snop  }
__scs_overlays_trampoline_lowered:
0x8: {  	[smem:$0x3FAA] =	sst s0  }
0x9: {  	[smem:$0x3FAB] =	sst s1  }
0xa: {  	[smem:$0x3FAC] =	sst s2  }
0xb: {  	[smem:$0x3FAD] =	sst s3  }
0xc: {  	[smem:$0x3FAE] =	sst s4  }
0xd: {  	[smem:$0x3FAF] =	sst s5  }
0xe: {  	[smem:$0x3FB0] =	sst s6  }
0xf: {  	[smem:$0x3FB1] =	sst s7  }
0x10: {  	[smem:$0x3FB2] =	sst s8  }
0x11: {  	[smem:$0x3FB3] =	sst s9;
	s0 =	simm.s32 @!p0 $0x0  }
0x12: {  	s1 =	sld [smem:$0x3F99];
	s0 =	simm.s32 @p0 $0x1  }
0x13: {  	[smem:$0x3FB4] =	sst s0;
	s0 =	simm.s32 @!p1 $0x0  }
0x14: {  	s2 =	sld [smem:$0x3F98];
	s0 =	simm.s32 @p1 $0x1  }
0x15: {  	[smem:$0x3FB5] =	sst s0;
	s0 =	simm.s32 @!p2 $0x0  }
0x16: {  	s3 =	sld [smem:$0x3FDB];
	s0 =	simm.s32 @p2 $0x1  }
0x17: {  	s4 =	simm.s32 $0x1BF5;
	[smem:$0x3FB7] =	sst s0  }
0x18: {  	s0 =	sld [smem:$0x3F9A];
	_ =	swait.ge [sflag:s4], $0x0  }
0x19: {  	s7 =	sld [smem:$0x3F9B]  }
0x1a: {  	s8 =	sadd.s32 $0xFFFFE003, lr  }
0x1b: {  	s9 =	sadd.s32 $0xFFFFFEF7, lr;
	s5 =	simm.s32 $0xFFFFFFFF;
	p2 =	slt.u32 s8, $0xFFFFF086  }
0x1c: {  	p1 =	slt.u32 s9, $0xF7A;
	s5 =	simm.s32 @!p2 $0x0  }
0x1d: {  	s5 =	simm.s32 @p1 $0x1;
	p0 =	seq.s32 s7, s2  }
0x1e: {  	s7 =	smul.u32 @!p0 $0xF7A, s2;
	p2 =	seq.s32 @!p0 s5, $0x0  }
0x1f: {  	s9 =	smul.u32 $0xF7A, s1;
	s8 =	simm.s32 @!p0 $0x1BF5;
	p2 =	por !p2, p0  }
0x20: {  	[sflag:s8] =	ssyncset.s32 @!p0 $0xFFFFF086;
	s6 =	sadd.s32 @!p0 s3, s7;
	s7 =	simm.s32 @!p0 $0x108  }
0x21: {  	s3 =	sadd.s32 s3, s9;
	s6 =	sadd.s32 @!p0 $0x88, s6;
	s7 =	simm.s32 @p2 $0x1082  }
0x22: {  	[simem:s7], [sflag:s8] =	dma.local @!p0 [hbm:s6], $0xF7A  }
0x23: {  	s9 =	sor.u32 $0xD0000000, s2;
	s6 =	simm.s32 $0x108;
	_ =	swait.ge @!p0 [sflag:s8], $0x0  }
0x24: {  	s3 =	sadd.s32 $0x88, s3;
	s6 =	simm.s32 @!p1 $0x1082;
	[sflag:s4] =	ssyncset.s32 $0xFFFFF086  }
0x25: {  	[simem:s6], [sflag:s4] =	dma.local [hbm:s3], $0xF7A  }
0x26: {  	[smem:$0x3F9B] =	sst s1;
	(tag) =	ssettag s2;
	_ =	strace s9  }
0x27: {  	s1 =	sld [smem:$0x3FAB]  }
0x28: {  	s2 =	sld [smem:$0x3FAC]  }
0x29: {  	s4 =	sld [smem:$0x3FAE]  }
0x2a: {  	p0 =	seq.s32 s5, $0x0;
	s5 =	sld [smem:$0x3FAF]  }
0x2b: {  	s6 =	sld [smem:$0x3FB0]  }
0x2c: {  	s7 =	sld [smem:$0x3FB1]  }
0x2d: {  	s3 =	simm.s32 $0x108;
	s8 =	sld [smem:$0x3FB2]  }
0x2e: {  	s3 =	simm.s32 @!p0 $0x1082;
	s9 =	sld [smem:$0x3FB3]  }
0x2f: {  	lr =	sadd.s32 s0, s3;
	s0 =	sld [smem:$0x3FAA]  }
0x30: {  	s3 =	sld [smem:$0x3FAD]  }
0x31: {  	[smem:$0x3FB6] =	sst s10  }
0x32: {  	s10 =	sld [smem:$0x3FB4];
	_ =	sdelay $0x3  }
0x33: {  	p0 =	seq.s32 s10, $0x1;
	s10 =	sld [smem:$0x3FB6];
	_ =	sdelay $0x3  }
0x34: {  	[smem:$0x3FB6] =	sst s10  }
0x35: {  	s10 =	sld [smem:$0x3FB5];
	_ =	sdelay $0x3  }
0x36: {  	p1 =	seq.s32 s10, $0x1;
	s10 =	sld [smem:$0x3FB6];
	_ =	sdelay $0x3  }
0x37: {  	[smem:$0x3FB6] =	sst s10  }
0x38: {  	s10 =	sld [smem:$0x3FB7]  }
0x39: {  	_ = 	snop;
	(pc) =	sbr.ind lr, $3  }
0x3a: {  	_ = 	snop  }
0x3b: {  	_ = 	snop  }
0x3c: {  	p2 =	seq.s32 s10, $0x1;
	s10 =	sld [smem:$0x3FB6]  }
0x3d: {  	_ =	shalt  }
0x3e: {  	_ =	shalt  }
0x3f: {  	_ =	shalt  }
0x40: {  	_ =	shalt  }
0x41: {  	_ =	shalt  }
0x42: {  	_ =	shalt  }
0x43: {  	_ =	shalt  }
0x44: {  	_ =	shalt  }
0x45: {  	_ =	shalt  }
0x46: {  	_ =	shalt  }
0x47: {  	_ =	shalt  }
0x48: {  	_ =	shalt  }
0x49: {  	_ =	shalt  }
0x4a: {  	_ =	shalt  }
0x4b: {  	_ =	shalt  }
0x4c: {  	_ =	shalt  }
0x4d: {  	_ =	shalt  }
0x4e: {  	_ =	shalt  }
0x4f: {  	_ =	shalt  }
0x50: {  	_ =	shalt  }
0x51: {  	_ =	shalt  }
0x52: {  	_ =	shalt  }
0x53: {  	_ =	shalt  }
0x54: {  	_ =	shalt  }
0x55: {  	_ =	shalt  }
0x56: {  	_ =	shalt  }
0x57: {  	_ =	shalt  }
0x58: {  	_ =	shalt  }
0x59: {  	_ =	shalt  }
0x5a: {  	_ =	shalt  }
0x5b: {  	_ =	shalt  }
0x5c: {  	_ =	shalt  }
0x5d: {  	_ =	shalt  }
0x5e: {  	_ =	shalt  }
0x5f: {  	_ =	shalt  }
0x60: {  	_ =	shalt  }
0x61: {  	_ =	shalt  }
0x62: {  	_ =	shalt  }
0x63: {  	_ =	shalt  }
0x64: {  	_ =	shalt  }
0x65: {  	_ =	shalt  }
0x66: {  	_ =	shalt  }
0x67: {  	_ =	shalt  }
0x68: {  	_ =	shalt  }
0x69: {  	_ =	shalt  }
0x6a: {  	_ =	shalt  }
0x6b: {  	_ =	shalt  }
0x6c: {  	_ =	shalt  }
0x6d: {  	_ =	shalt  }
0x6e: {  	_ =	shalt  }
0x6f: {  	_ =	shalt  }
0x70: {  	_ =	shalt  }
0x71: {  	_ =	shalt  }
0x72: {  	_ =	shalt  }
0x73: {  	_ =	shalt  }
0x74: {  	_ =	shalt  }
0x75: {  	_ =	shalt  }
0x76: {  	_ =	shalt  }
0x77: {  	_ =	shalt  }
0x78: {  	_ =	shalt  }
0x79: {  	_ =	shalt  }
0x7a: {  	_ =	shalt  }
0x7b: {  	_ =	shalt  }
0x7c: {  	_ =	shalt  }
0x7d: {  	_ =	shalt  }
0x7e: {  	_ =	shalt  }
0x7f: {  	_ =	shalt  }
0x80: {  	_ =	shalt  }
0x81: {  	_ =	shalt  }
0x82: {  	_ =	shalt  }
0x83: {  	_ =	shalt  }
0x84: {  	_ =	shalt  }
0x85: {  	_ =	shalt  }
0x86: {  	_ =	shalt  }
0x87: {  	_ =	shalt  }
.Lfunc_end0:
.L_simem_size_0:
called_computation.1_lowered:
.L_overlay_start_0:
0x88: {  	s2 =	sld [smem:$0x3FD9]  }
0x89: {  	s3 =	sld [smem:$0x3FFE];
	_ =	sdelay $0x1  }
0x8a: {  	s1 =	srdreg.scid  }
0x8b: {  	s0 =	sand.u32 $0x1, s1  }
0x8c: {  	s14 =	sshll.u32 s0, $0xA;
	s2 =	sadd.s32 s3, s2  }
0x8d: {  	s2 =	sadd.s32 s2, s14  }
0x8e: {  	[smem:$0x3FC2] =	sst s2  }
0x8f: {  	_ = 	snop  }
0x90: {  	s2 =	sld [smem:$0x3FD0];
	_ =	sdelay $0x2  }
0x91: {  	s15 =	simm.s32 $0xA;
	s4 =	simm.s32 $0x10  }
0x92: {  	[smem:s4], [sflag:s15] =	dma.local [hbm:s2], $0x1  }
0x93: {  	_ =	swait.eq [sflag:s15], $0x1  }
0x94: {  	[sflag:s15] =	ssyncset.done $0x0  }
0x95: {  	s16 =	sld [smem:$0x10];
	[sflag:s15] =	ssyncadd.s32 $0xFFFFFFFF  }
0x96: {  	s17 =	sld [smem:$0x11];
	(tm) =	ssettm $0x1  }
0x97: {  	s18 =	sld [smem:$0x3FFB];
	_ =	sdelay $0x3  }
0x98: {  	_ =	strace s18  }
0x99: {  	s4 =	sld [smem:$0x3FFC];
	_ =	sdelay $0x3  }
0x9a: {  	_ =	strace s4  }
0x9b: {  	s4 =	sld [smem:$0x3FFD];
	_ =	sdelay $0x3  }
0x9c: {  	_ =	strace s4  }
0x9d: {  	_ =	strace $0x8FFFFFFF  }
0x9e: {  	s19 =	sld [smem:$0x3FDB];
	_ =	sdelay $0x1  }
0x9f: {  	s5 =	simm.s32 $_scs_section_size  }
0xa0: {  	s6 =	simm.s32 $_size__tile_overlayer_lowered;
	s7 =	simm.s32 $_tile_overlayer_lowered  }
0xa1: {  	s22 =	simm.s32 $0x1BFF;
	s21 =	sshll.u32 s7, $0x1;
	s4 =	sadd.s32 s5, s19  }
0xa2: {  	s8 =	simm.s32 $0x0;
	s20 =	sshll.u32 s6, $0x1;
	s6 =	sadd.s32 s21, s4  }
0xa3: {  	[timem:s8], [sflag:s22] =	dma.local [hbm:s6], s20  }
0xa4: {  	_ =	swait.ge [sflag:s22], s20  }
0xa5: {  	s5 =	ssub.s32 $0x0, s20;
	[sflag:s22] =	ssyncset.done $0x0  }
0xa6: {  	[sflag:s22] =	ssyncadd.s32 s5;
	_ =	sdelay $0x1  }
0xa7: {  	s23 =	simm.s32 $0x1B8B  }
0xa8: {  	_ =	swait.ge [sflag:s23], $0x1  }
0xa9: {  	[sflag:s23] =	ssyncset.done $0x0  }
0xaa: {  	s25 =	simm.s32 $0x1B8E;
	s24 =	sld [smem:$0x3FFE];
	[sflag:s23] =	ssyncadd.s32 $0xFFFFFFFF  }
0xab: {  	s26 =	simm.s32 $execute0_lowered;
	[smem:$0x3FD2] =	sst s25  }
0xac: {  	s6 =	sshll.u32 s26, $0x1;
	_ =	strace $0x80000049;
	[dreg:$0x1] =	wrdreg $0xFFFFFFFF  }
0xad: {  	s28 =	simm.s32 $_size_execute0_lowered;
	s4 =	sadd.s32 s4, s6;
	[dreg:$0x0] =	wrdreg $0x0  }
0xae: {  	s6 =	sshll.u32 s28, $0x1;
	[dreg:$0x2] =	wrdreg s4  }
0xaf: {  	[dreg:$0x3] =	wrdreg s6  }
0xb0: {  	[dreg:$0x4] =	wrdreg $0xC0  }
0xb1: {  	_ =	task [dreg:s8], $0x5FFFF  }
0xb2: {  	[dreg:$0x1] =	wrdreg $0xFFFFFFFF  }
0xb3: {  	[dreg:$0x0] =	wrdreg $0x60  }
0xb4: {  	[dreg:$0x2] =	wrdreg s24  }
0xb5: {  	[dreg:$0x3] =	wrdreg s17  }
0xb6: {  	[dreg:$0x4] =	wrdreg s16  }
0xb7: {  	[dreg:$0x5] =	wrdreg $0x5E200  }
0xb8: {  	[dreg:$0x6] =	wrdreg $0x198A00  }
0xb9: {  	[dreg:$0x7] =	wrdreg $0x9  }
0xba: {  	_ =	task.clear_ibuf [dreg:s8], $0x8FFFF;
	_ =	strace $0x90000049  }
0xbb: {  	s29 =	simm.s32 $0x9;
	_ =	strace $0x8000004B  }
0xbc: {  	_ =	swait.ge [sflag:s29], $0x1  }
0xbd: {  	[sflag:s29] =	ssyncadd.s32 $0xFFFFFFFF  }
0xbe: {  	_ =	strace $0x9000004B  }
0xbf: {  	_ =	sfence  }
0xc0: {  	s30 =	sld [smem:$0x0];
	_ =	sdelay $0x2  }
0xc1: {  	s31 =	sshll.u32 s1, $0xD;
	s1 =	sshrl.u32 s1, $0x2  }
0xc2: {  	s3 =	sand.u32 $0x4000, s31;
	s1 =	sadd.s32 s1, s30  }
0xc3: {  	s0 =	sor.u32 s3, s0;
	s1 =	sshll.u32 s1, $0x11  }
0xc4: {  	s0 =	sor.u32 s1, s0  }
0xc5: {  	s0 =	sadd.s32 $0x8F2B, s0  }
0xc6: {  	[sflag:s0] =	ssyncadd.remote.s32 $0x1  }
0xc7: {  	_ =	sfence.sel $0xFFFF  }
0xc8: {  	[dreg:$0x0] =	wrdreg $0xFFFFFFFF;
	(pc) =	sbr.abs _section_cstart, $3  }
0xc9: {  	[dreg:$0x1] =	wrdreg $0xFFFFFFFF  }
0xca: {  	_ =	task.clear_ibuf [dreg:s8], $0x2FFFF;
	_ =	strace $0x9FFFFFFF  }
0xcb: {  	(tm) =	ssettm $0x7FFFFFFF  }
tec
execute0_lowered:
.L_overlay_start_1:
0x0: {  	(tag) =	ssettag $0x1  }
0x1: {  	s8 =	rddreg [dreg:$0x0]  }
0x2: {  	s1 =	rddreg [dreg:$0x1]  }
0x3: {  	s12 =	rddreg [dreg:$0x2]  }
0x4: {  	s2 =	srdreg.scid;
	s3 =	rddreg [dreg:$0x3]  }
0x5: {  	s0 =	stileid.u32;
	s4 =	rddreg [dreg:$0x4]  }
0x6: {  	s5 =	simm.s32 $0x0;
	s19 =	simm.s32 $0x4E20;
	s20 =	simm.s32 $0x196A0  }
0x7: {  	s21 =	simm.s32 $0x1;
	s22 =	simm.s32 $0x5620;
	s23 =	simm.s32 $0x3  }
0x8: {  	s24 =	simm.s32 $0x197A0;
	s25 =	simm.s32 $0x2;
	s26 =	simm.s32 $0x4  }
0x9: {  	s28 =	simm.s32 $0x0;
	s10 =	sand.u32 $0x1, s2;
	s29 =	sshll.u32 s0, $0x1  }
0xa: {  	s11 =	smul.u32 $0x1F400, s0;
	[smem:$0x7FF] =	sst s5;
	s6 =	sadd.s32 $0x3D200, s8  }
0xb: {  	p0 =	sgt.u32 s0, $0x9;
	s2 =	sor.u32 s10, s29;
	s9 =	smul.u32 $0x140000, s10  }
0xc: {  	s14 =	ssub.s32 $0x2, s10;
	s31 =	smul.u32 $0x500, s10;
	p2 =	sne.s32 @p0 s0, $0xA  }
0xd: {  	s7 =	smul.u32 $0x4E2, s2;
	s2 =	rddreg [dreg:$0x5];
	_ =	strace $0x8000004A  }
0xe: {  	s30 =	sshrl.u32 s11, $0x3;
	s16 =	sshrl.u32 s14, $0x1;
	s18 =	sadd.s32 s11, s3  }
0xf: {  	p1 =	por p2, !p0;
	p2 =	por !p2, !p0;
	s9 =	sadd.s32 s11, s9  }
0x10: {  	s15 =	sadd.s32 s30, s8;
	s14 =	ssub.s32 s14, s16;
	s12 =	sadd.s32 s12, s31  }
0x11: {  	s16 =	sshrl.u32 @!p1 s4, $0x3;
	s18 =	sshrl.u32 @!p0 s18, $0x3;
	s13 =	sadd.s32 s7, s8  }
0x12: {  	s9 =	sshrl.u32 s9, $0x3;
	s7 =	sadd.s32 $0x28800, s8;
	s10 =	sadd.s32 $0x1600, s15  }
0x13: {  	s15 =	simm.s32 $0x2710;
	s17 =	sadd.s32 s9, s8;
	s8 =	sadd.s32 $0x33400, s13  }
0x14: {  	s9 =	sadd.s32 $0x29600, s13;
	s11 =	sadd.s32 $0x17D200, s17;
	s17 =	sshll.u32 @!p0 s0, $0x6  }
0x15: {  	vm0 =	vmmov $0xffff;
	s13 =	smax.u32 s14, $0x1;
	s14 =	simm.s32 $0x5;
	s17 =	sor.u32 @!p0 $0x1C05, s17  }
.LBB2_1:
0x16: {  	[tilespmem:s5], [sflag:$0x5] =	stream.linear.gather [hbm4b:s8+s5], $0x2710, $0x38;
	[tilespmem:$0x19B20] =	vst v63  }
0x17: {  	_ =	swait.ge [sflag:s14], $0x2710  }
0x18: {  	[sflag:s14] =	ssyncset.done $0x0  }
0x19: {  	[sflag:s14] =	ssyncadd.s32 $0xFFFFD8F0  }
0x1a: {  	[tilespmem:s15], [sflag:$0x5] =	stream.linear.gather [hbm4b:s9+s5], $0x2710, $0x38;
	[tilespmem:$0x19B20] =	vst v63  }
0x1b: {  	_ =	swait.ge [sflag:s14], $0x2710  }
0x1c: {  	[sflag:s14] =	ssyncset.done $0x0  }
0x1d: {  	s29 =	simm.s32 @!p1 $0x1E85;
	[sflag:s14] =	ssyncadd.s32 $0xFFFFD8F0  }
0x1e: {  	[spmem:s16], [sflag:s29] =	dma.local @!p1 [hbm:s7], $0x500  }
0x1f: {  	s29 =	simm.s32 @!p1 $0x5  }
0x20: {  	_ =	swait.ge @!p1 [sflag:s29], $0x500  }
0x21: {  	[sflag:s29] =	ssyncset.done @!p1 $0x0  }
0x22: {  	[sflag:s29] =	ssyncadd.s32 @!p1 $0xFFFFFB00;
	s29 =	simm.s32 @!p0 $0x5  }
0x23: {  	[spmem:s18], [sflag:s17] =	dma.local @!p0 [hbm:s10], $0x3E80  }
0x24: {  	_ =	swait.ge @!p0 [sflag:s29], $0x3E80  }
0x25: {  	[sflag:s29] =	ssyncset.done @!p0 $0x0  }
0x26: {  	[sflag:s29] =	ssyncadd.s32 @!p0 $0xFFFFC180  }
0x27: {  	s29 =	simm.s32 $0x40;
	[bflag:$0x0] =	sbarrier.arrive $0xFFFF  }
0x28: {  	v1 =	vld [tilespmem:s29+$0xFFFFFFC0]  }
0x29: {  	v2 =	vld [tilespmem:s29+$0x26D0]  }
0x2a: {  	v0 =	vld [tilespmem:s29+$0x2710]  }
0x2b: {  	v3 =	vld [tilespmem:s29+$0x2700]  }
0x2c: {  	v4 =	vld [tilespmem:s29+$0x0]  }
0x2d: {  	v5 =	vld [tilespmem:s29+$0xFFFFFFF0]  }
0x2e: {  	v6 =	vld [tilespmem:s29+$0xFFFFFFE0];
	v8 =	vand.u32 $0xF, v2  }
0x2f: {  	v7 =	vld [tilespmem:s29+$0xFFFFFFD0]  }
0x30: {  	v9 =	vld [tilespmem:s29+$0x26F0]  }
0x31: {  	v10 =	vld [tilespmem:s29+$0x26E0];
	[tilespmem:s19], [sflag:$0x1] =	stream.indirect_vreg.gather [hbm4b:s6+s5], $0x80, v1, vm0, $0xb8  }
0x32: {  	_ = 	snop  }
0x33: {  	[tilespmem:s20], [sflag:$0x3] =	stream.indirect_vreg.gather [hbm4b:s1+s5], $0x10, v8, vm0, $0xb8;
	[tilespmem:$0x19B20] =	vst v63  }
0x34: {  	_ =	swait.ge [sflag:s21], $0x800  }
0x35: {  	[sflag:s21] =	ssyncset.done $0x0  }
0x36: {  	[sflag:s21] =	ssyncadd.s32 $0xFFFFF800  }
0x37: {  	[spmem:s3] =	stream.indirect_vreg.scatter.add.f32 [tilespmem:s19], [sflag:$0x2], $0x80, v2, vm0, $0xb8;
	[tilespmem:$0x19B20] =	vst v63  }
0x38: {  	v55 =	vshrl.u32 v2, $0x4  }
0x39: {  	[tilespmem:s22], [sflag:$0x1] =	stream.indirect_vreg.gather [hbm4b:s6+s5], $0x80, v7, vm0, $0xb8;
	[tilespmem:$0x19B20] =	vst v63  }
0x3a: {  	v56 =	vand.u32 $0xF, v10;
	_ =	swait.ge [sflag:s23], $0x100  }
0x3b: {  	[sflag:s23] =	ssyncset.done $0x0  }
0x3c: {  	[sflag:s23] =	ssyncadd.s32 $0xFFFFFF00  }
0x3d: {  	[spmem:s4] =	stream.indirect_vreg.scatter.add.f32 [tilespmem:s20], [sflag:$0x4], $0x10, v55, vm0, $0xb8;
	[tilespmem:$0x19B20] =	vst v63  }
0x3e: {  	_ = 	snop  }
0x3f: {  	[tilespmem:s24], [sflag:$0x3] =	stream.indirect_vreg.gather [hbm4b:s1+s5], $0x10, v56, vm0, $0xb8;
	[tilespmem:$0x19B20] =	vst v63  }
0x40: {  	_ =	swait.ge [sflag:s21], $0x800  }
0x41: {  	[sflag:s21] =	ssyncset.done $0x0  }
0x42: {  	[sflag:s21] =	ssyncadd.s32 $0xFFFFF800  }
0x43: {  	[spmem:s3] =	stream.indirect_vreg.scatter.add.f32 [tilespmem:s22], [sflag:$0x2], $0x80, v10, vm0, $0xb8;
	[tilespmem:$0x19B20] =	vst v63  }
0x44: {  	_ =	swait.ge [sflag:s25], $0x800  }
0x45: {  	[sflag:s25] =	ssyncset.done $0x0  }
0x46: {  	v57 =	vshrl.u32 v10, $0x4;
	[sflag:s25] =	ssyncadd.s32 $0xFFFFF800  }
0x47: {  	[tilespmem:s19], [sflag:$0x1] =	stream.indirect_vreg.gather [hbm4b:s6+s5], $0x80, v6, vm0, $0xb8;
	[tilespmem:$0x19B20] =	vst v63  }
0x48: {  	_ =	swait.ge [sflag:s23], $0x100  }
0x49: {  	[sflag:s23] =	ssyncset.done $0x0  }
0x4a: {  	v58 =	vand.u32 $0xF, v9;
	[sflag:s23] =	ssyncadd.s32 $0xFFFFFF00  }
0x4b: {  	[spmem:s4] =	stream.indirect_vreg.scatter.add.f32 [tilespmem:s24], [sflag:$0x4], $0x10, v57, vm0, $0xb8;
	[tilespmem:$0x19B20] =	vst v63  }
0x4c: {  	_ =	swait.ge [sflag:s26], $0x100  }
0x4d: {  	[sflag:s26] =	ssyncset.done $0x0  }
0x4e: {  	[sflag:s26] =	ssyncadd.s32 $0xFFFFFF00  }
0x4f: {  	[tilespmem:s20], [sflag:$0x3] =	stream.indirect_vreg.gather [hbm4b:s1+s5], $0x10, v58, vm0, $0xb8;
	[tilespmem:$0x19B20] =	vst v63  }
0x50: {  	_ =	swait.ge [sflag:s21], $0x800  }
0x51: {  	[sflag:s21] =	ssyncset.done $0x0  }
0x52: {  	[sflag:s21] =	ssyncadd.s32 $0xFFFFF800  }
0x53: {  	[spmem:s3] =	stream.indirect_vreg.scatter.add.f32 [tilespmem:s19], [sflag:$0x2], $0x80, v9, vm0, $0xb8;
	[tilespmem:$0x19B20] =	vst v63  }
0x54: {  	_ =	swait.ge [sflag:s25], $0x800  }
0x55: {  	[sflag:s25] =	ssyncset.done $0x0  }
0x56: {  	v59 =	vshrl.u32 v9, $0x4;
	[sflag:s25] =	ssyncadd.s32 $0xFFFFF800  }
0x57: {  	[tilespmem:s22], [sflag:$0x1] =	stream.indirect_vreg.gather [hbm4b:s6+s5], $0x80, v5, vm0, $0xb8;
	[tilespmem:$0x19B20] =	vst v63  }
0x58: {  	_ =	swait.ge [sflag:s23], $0x100  }
0x59: {  	[sflag:s23] =	ssyncset.done $0x0  }
0x5a: {  	v60 =	vand.u32 $0xF, v3;
	[sflag:s23] =	ssyncadd.s32 $0xFFFFFF00  }
0x5b: {  	[spmem:s4] =	stream.indirect_vreg.scatter.add.f32 [tilespmem:s20], [sflag:$0x4], $0x10, v59, vm0, $0xb8;
	[tilespmem:$0x19B20] =	vst v63  }
0x5c: {  	_ =	swait.ge [sflag:s26], $0x100  }
0x5d: {  	[sflag:s26] =	ssyncset.done $0x0  }
0x5e: {  	[sflag:s26] =	ssyncadd.s32 $0xFFFFFF00  }
0x5f: {  	[tilespmem:s24], [sflag:$0x3] =	stream.indirect_vreg.gather [hbm4b:s1+s5], $0x10, v60, vm0, $0xb8;
	[tilespmem:$0x19B20] =	vst v63  }
0x60: {  	_ =	swait.ge [sflag:s21], $0x800  }
0x61: {  	[sflag:s21] =	ssyncset.done $0x0  }
0x62: {  	[sflag:s21] =	ssyncadd.s32 $0xFFFFF800  }
0x63: {  	[spmem:s3] =	stream.indirect_vreg.scatter.add.f32 [tilespmem:s22], [sflag:$0x2], $0x80, v3, vm0, $0xb8;
	[tilespmem:$0x19B20] =	vst v63  }
0x64: {  	_ =	swait.ge [sflag:s25], $0x800  }
0x65: {  	[sflag:s25] =	ssyncset.done $0x0  }
0x66: {  	v61 =	vshrl.u32 v3, $0x4;
	[sflag:s25] =	ssyncadd.s32 $0xFFFFF800  }
0x67: {  	[tilespmem:s19], [sflag:$0x1] =	stream.indirect_vreg.gather [hbm4b:s6+s5], $0x80, v4, vm0, $0xb8;
	[tilespmem:$0x19B20] =	vst v63  }
0x68: {  	_ =	swait.ge [sflag:s23], $0x100  }
0x69: {  	[sflag:s23] =	ssyncset.done $0x0  }
0x6a: {  	v62 =	vand.u32 $0xF, v0;
	[sflag:s23] =	ssyncadd.s32 $0xFFFFFF00  }
0x6b: {  	[spmem:s4] =	stream.indirect_vreg.scatter.add.f32 [tilespmem:s24], [sflag:$0x4], $0x10, v61, vm0, $0xb8;
	[tilespmem:$0x19B20] =	vst v63  }
0x6c: {  	_ =	swait.ge [sflag:s26], $0x100  }
0x6d: {  	[sflag:s26] =	ssyncset.done $0x0  }
0x6e: {  	[sflag:s26] =	ssyncadd.s32 $0xFFFFFF00  }
0x6f: {  	[tilespmem:s20], [sflag:$0x3] =	stream.indirect_vreg.gather [hbm4b:s1+s5], $0x10, v62, vm0, $0xb8;
	[tilespmem:$0x19B20] =	vst v63  }
0x70: {  	_ =	swait.ge [sflag:s21], $0x800  }
0x71: {  	[sflag:s21] =	ssyncset.done $0x0  }
0x72: {  	v63 =	vshrl.u32 v0, $0x4;
	[sflag:s21] =	ssyncadd.s32 $0xFFFFF800  }
0x73: {  	[spmem:s3] =	stream.indirect_vreg.scatter.add.f32 [tilespmem:s19], [sflag:$0x2], $0x80, v0, vm0, $0xb8;
	[tilespmem:$0x19B20] =	vst v63  }
0x74: {  	_ =	swait.ge [sflag:s23], $0x100  }
0x75: {  	[sflag:s23] =	ssyncset.done $0x0  }
0x76: {  	[sflag:s23] =	ssyncadd.s32 $0xFFFFFF00  }
0x77: {  	[spmem:s4] =	stream.indirect_vreg.scatter.add.f32 [tilespmem:s20], [sflag:$0x4], $0x10, v63, vm0, $0xb8;
	[tilespmem:$0x19B20] =	vst v63  }
0x78: {  	_ =	swait.ge [sflag:s25], $0x800  }
0x79: {  	[sflag:s25] =	ssyncset.done $0x0  }
0x7a: {  	[sflag:s25] =	ssyncadd.s32 $0xFFFFF800  }
0x7b: {  	_ =	swait.ge [sflag:s25], $0x800  }
0x7c: {  	[sflag:s25] =	ssyncset.done $0x0  }
0x7d: {  	p4 =	por @p0 $0x0, $0x0;
	p3 =	por @!p1 $0x1, $0x1;
	[sflag:s25] =	ssyncadd.s32 $0xFFFFF800  }
0x7e: {  	p3 =	por @!p2 p4, p4;
	p4 =	por @!p0 $0x0, $0x0;
	_ =	swait.ge [sflag:s26], $0x100  }
0x7f: {  	p3 =	por @!p0 p4, p4;
	s29 =	simm.s32 $0x240;
	[sflag:s26] =	ssyncset.done $0x0  }
.LBB2_2:
0x80: {  	p4 =	sne.s32 s29, $0x9C00  }
0x81: {  	[sflag:s26] =	ssyncadd.s32 $0xFFFFFF00;
	s30 =	smov.u32 s29;
	s29 =	sadd.s32 $0x140, s29  }
0x82: {  	_ =	swait.ge [sflag:s26], $0x100  }
0x83: {  	[sflag:s26] =	ssyncset.done $0x0  }
0x84: {  	s30 =	sshra.s32 s30, $0x2;
	[sflag:s26] =	ssyncadd.s32 $0xFFFFFF00  }
0x85: {  	v0 =	vld [tilespmem:s30+$0x2710]  }
0x86: {  	v1 =	vld [tilespmem:s30+$0x2700]  }
0x87: {  	v2 =	vld [tilespmem:s30+$0xFFFFFFC0]  }
0x88: {  	v3 =	vld [tilespmem:s30+$0x26D0]  }
0x89: {  	v4 =	vld [tilespmem:s30+$0x0]  }
0x8a: {  	v5 =	vld [tilespmem:s30+$0xFFFFFFF0]  }
0x8b: {  	v6 =	vld [tilespmem:s30+$0xFFFFFFE0]  }
0x8c: {  	v7 =	vld [tilespmem:s30+$0xFFFFFFD0]  }
0x8d: {  	v8 =	vld [tilespmem:s30+$0x26F0];
	v9 =	vand.u32 $0xF, v3  }
0x8e: {  	v10 =	vld [tilespmem:s30+$0x26E0]  }
0x8f: {  	[tilespmem:s19], [sflag:$0x1] =	stream.indirect_vreg.gather [hbm4b:s6+s5], $0x80, v2, vm0, $0xb8;
	[tilespmem:$0x19B20] =	vst v63  }
0x90: {  	_ =	sdelay $0x1  }
0x91: {  	[tilespmem:s20], [sflag:$0x3] =	stream.indirect_vreg.gather [hbm4b:s1+s5], $0x10, v9, vm0, $0xb8;
	[tilespmem:$0x19B20] =	vst v63  }
0x92: {  	_ =	swait.ge [sflag:s21], $0x800  }
0x93: {  	[sflag:s21] =	ssyncset.done $0x0  }
0x94: {  	[sflag:s21] =	ssyncadd.s32 $0xFFFFF800  }
0x95: {  	v2 =	vshrl.u32 v3, $0x4;
	[spmem:s3] =	stream.indirect_vreg.scatter.add.f32 [tilespmem:s19], [sflag:$0x2], $0x80, v3, vm0, $0xb8;
	[tilespmem:$0x19B20] =	vst v63  }
0x96: {  	_ = 	snop  }
0x97: {  	v3 =	vand.u32 $0xF, v10;
	[tilespmem:s22], [sflag:$0x1] =	stream.indirect_vreg.gather [hbm4b:s6+s5], $0x80, v7, vm0, $0xb8;
	[tilespmem:$0x19B20] =	vst v63  }
0x98: {  	_ =	swait.ge [sflag:s23], $0x100  }
0x99: {  	[sflag:s23] =	ssyncset.done $0x0  }
0x9a: {  	[sflag:s23] =	ssyncadd.s32 $0xFFFFFF00  }
0x9b: {  	[spmem:s4] =	stream.indirect_vreg.scatter.add.f32 [tilespmem:s20], [sflag:$0x4], $0x10, v2, vm0, $0xb8;
	[tilespmem:$0x19B20] =	vst v63  }
0x9c: {  	_ = 	snop  }
0x9d: {  	[tilespmem:s24], [sflag:$0x3] =	stream.indirect_vreg.gather [hbm4b:s1+s5], $0x10, v3, vm0, $0xb8;
	[tilespmem:$0x19B20] =	vst v63  }
0x9e: {  	_ =	swait.ge [sflag:s21], $0x800  }
0x9f: {  	[sflag:s21] =	ssyncset.done $0x0  }
0xa0: {  	[sflag:s21] =	ssyncadd.s32 $0xFFFFF800  }
0xa1: {  	[spmem:s3] =	stream.indirect_vreg.scatter.add.f32 [tilespmem:s22], [sflag:$0x2], $0x80, v10, vm0, $0xb8;
	[tilespmem:$0x19B20] =	vst v63  }
0xa2: {  	_ =	swait.ge [sflag:s25], $0x800  }
0xa3: {  	v2 =	vshrl.u32 v10, $0x4;
	[sflag:s25] =	ssyncset.done $0x0  }
0xa4: {  	[sflag:s25] =	ssyncadd.s32 $0xFFFFF800  }
0xa5: {  	[tilespmem:s19], [sflag:$0x1] =	stream.indirect_vreg.gather [hbm4b:s6+s5], $0x80, v6, vm0, $0xb8;
	[tilespmem:$0x19B20] =	vst v63  }
0xa6: {  	_ =	swait.ge [sflag:s23], $0x100  }
0xa7: {  	v3 =	vand.u32 $0xF, v8;
	[sflag:s23] =	ssyncset.done $0x0  }
0xa8: {  	[sflag:s23] =	ssyncadd.s32 $0xFFFFFF00  }
0xa9: {  	[spmem:s4] =	stream.indirect_vreg.scatter.add.f32 [tilespmem:s24], [sflag:$0x4], $0x10, v2, vm0, $0xb8;
	[tilespmem:$0x19B20] =	vst v63  }
0xaa: {  	_ =	swait.ge [sflag:s26], $0x100  }
0xab: {  	[sflag:s26] =	ssyncset.done $0x0  }
0xac: {  	[sflag:s26] =	ssyncadd.s32 $0xFFFFFF00  }
0xad: {  	[tilespmem:s20], [sflag:$0x3] =	stream.indirect_vreg.gather [hbm4b:s1+s5], $0x10, v3, vm0, $0xb8;
	[tilespmem:$0x19B20] =	vst v63  }
0xae: {  	_ =	swait.ge [sflag:s21], $0x800  }
0xaf: {  	[sflag:s21] =	ssyncset.done $0x0  }
0xb0: {  	[sflag:s21] =	ssyncadd.s32 $0xFFFFF800  }
0xb1: {  	[spmem:s3] =	stream.indirect_vreg.scatter.add.f32 [tilespmem:s19], [sflag:$0x2], $0x80, v8, vm0, $0xb8;
	[tilespmem:$0x19B20] =	vst v63  }
0xb2: {  	_ =	swait.ge [sflag:s25], $0x800  }
0xb3: {  	v2 =	vshrl.u32 v8, $0x4;
	[sflag:s25] =	ssyncset.done $0x0  }
0xb4: {  	[sflag:s25] =	ssyncadd.s32 $0xFFFFF800  }
0xb5: {  	[tilespmem:s22], [sflag:$0x1] =	stream.indirect_vreg.gather [hbm4b:s6+s5], $0x80, v5, vm0, $0xb8;
	[tilespmem:$0x19B20] =	vst v63  }
0xb6: {  	_ =	swait.ge [sflag:s23], $0x100  }
0xb7: {  	v3 =	vand.u32 $0xF, v1;
	[sflag:s23] =	ssyncset.done $0x0  }
0xb8: {  	[sflag:s23] =	ssyncadd.s32 $0xFFFFFF00  }
0xb9: {  	[spmem:s4] =	stream.indirect_vreg.scatter.add.f32 [tilespmem:s20], [sflag:$0x4], $0x10, v2, vm0, $0xb8;
	[tilespmem:$0x19B20] =	vst v63  }
0xba: {  	_ =	swait.ge [sflag:s26], $0x100  }
0xbb: {  	[sflag:s26] =	ssyncset.done $0x0  }
0xbc: {  	[sflag:s26] =	ssyncadd.s32 $0xFFFFFF00  }
0xbd: {  	[tilespmem:s24], [sflag:$0x3] =	stream.indirect_vreg.gather [hbm4b:s1+s5], $0x10, v3, vm0, $0xb8;
	[tilespmem:$0x19B20] =	vst v63  }
0xbe: {  	_ =	swait.ge [sflag:s21], $0x800  }
0xbf: {  	[sflag:s21] =	ssyncset.done $0x0  }
0xc0: {  	[sflag:s21] =	ssyncadd.s32 $0xFFFFF800  }
0xc1: {  	[spmem:s3] =	stream.indirect_vreg.scatter.add.f32 [tilespmem:s22], [sflag:$0x2], $0x80, v1, vm0, $0xb8;
	[tilespmem:$0x19B20] =	vst v63  }
0xc2: {  	_ =	swait.ge [sflag:s25], $0x800  }
0xc3: {  	v1 =	vshrl.u32 v1, $0x4;
	[sflag:s25] =	ssyncset.done $0x0  }
0xc4: {  	[sflag:s25] =	ssyncadd.s32 $0xFFFFF800  }
0xc5: {  	[tilespmem:s19], [sflag:$0x1] =	stream.indirect_vreg.gather [hbm4b:s6+s5], $0x80, v4, vm0, $0xb8;
	[tilespmem:$0x19B20] =	vst v63  }
0xc6: {  	_ =	swait.ge [sflag:s23], $0x100  }
0xc7: {  	v2 =	vand.u32 $0xF, v0;
	[sflag:s23] =	ssyncset.done $0x0  }
0xc8: {  	[sflag:s23] =	ssyncadd.s32 $0xFFFFFF00  }
0xc9: {  	[spmem:s4] =	stream.indirect_vreg.scatter.add.f32 [tilespmem:s24], [sflag:$0x4], $0x10, v1, vm0, $0xb8;
	[tilespmem:$0x19B20] =	vst v63  }
0xca: {  	_ =	swait.ge [sflag:s26], $0x100  }
0xcb: {  	[sflag:s26] =	ssyncset.done $0x0  }
0xcc: {  	[sflag:s26] =	ssyncadd.s32 $0xFFFFFF00  }
0xcd: {  	[tilespmem:s20], [sflag:$0x3] =	stream.indirect_vreg.gather [hbm4b:s1+s5], $0x10, v2, vm0, $0xb8;
	[tilespmem:$0x19B20] =	vst v63  }
0xce: {  	_ =	swait.ge [sflag:s21], $0x800  }
0xcf: {  	v1 =	vshrl.u32 v0, $0x4;
	[sflag:s21] =	ssyncset.done $0x0  }
0xd0: {  	[sflag:s21] =	ssyncadd.s32 $0xFFFFF800  }
0xd1: {  	[spmem:s3] =	stream.indirect_vreg.scatter.add.f32 [tilespmem:s19], [sflag:$0x2], $0x80, v0, vm0, $0xb8;
	[tilespmem:$0x19B20] =	vst v63  }
0xd2: {  	_ =	swait.ge [sflag:s23], $0x100  }
0xd3: {  	[sflag:s23] =	ssyncset.done $0x0  }
0xd4: {  	[sflag:s23] =	ssyncadd.s32 $0xFFFFFF00  }
0xd5: {  	[spmem:s4] =	stream.indirect_vreg.scatter.add.f32 [tilespmem:s20], [sflag:$0x4], $0x10, v1, vm0, $0xb8;
	[tilespmem:$0x19B20] =	vst v63  }
0xd6: {  	_ =	swait.ge [sflag:s25], $0x800  }
0xd7: {  	[sflag:s25] =	ssyncset.done $0x0  }
0xd8: {  	[sflag:s25] =	ssyncadd.s32 $0xFFFFF800  }
.Ltmp0:
0xd9: {  	_ =	swait.ge [sflag:s25], $0x800;
	(pc) =	sbr.rel @p4 .LBB2_2-.Ltmp0, $4  }
0xda: {  	[sflag:s25] =	ssyncset.done $0x0  }
0xdb: {  	[sflag:s25] =	ssyncadd.s32 $0xFFFFF800  }
0xdc: {  	_ =	swait.ge [sflag:s26], $0x100  }
0xdd: {  	[sflag:s26] =	ssyncset.done $0x0  }
0xde: {  	[sflag:s26] =	ssyncadd.s32 $0xFFFFFF00  }
0xdf: {  	_ =	swait.ge [sflag:s26], $0x100  }
0xe0: {  	[sflag:s26] =	ssyncset.done $0x0  }
0xe1: {  	[sflag:s26] =	ssyncadd.s32 $0xFFFFFF00  }
0xe2: {  	s29 =	simm.s32 @!p0 $0x5;
	[bflag:$0x0] =	sbarrier.arrive $0xFFFF  }
0xe3: {  	[hbm:s11], [sflag:s17] =	dma.local @!p0 [spmem:s18], $0x3E80  }
0xe4: {  	s28 =	sadd.s32 $0x1, s28;
	_ =	swait.ge @!p0 [sflag:s29], $0x3E80  }
0xe5: {  	s30 =	sshll.u32 @p3 s0, $0x6;
	p4 =	sne.s32 s28, s13;
	[sflag:s29] =	ssyncset.done @!p0 $0x0  }
0xe6: {  	[sflag:s29] =	ssyncadd.s32 @!p0 $0xFFFFC180;
	s29 =	sor.u32 @p3 $0x1C05, s30;
	s30 =	sshrl.u32 @p3 s4, $0x3  }
0xe7: {  	[hbm:s12], [sflag:s29] =	dma.local @p3 [spmem:s30], $0x500  }
.Ltmp1:
0xe8: {  	_ = 	snop;
	(pc) =	sbr.rel @p4 .LBB2_1-.Ltmp1, $4  }
0xe9: {  	s29 =	simm.s32 @p3 $0x5  }
0xea: {  	_ =	swait.ge @p3 [sflag:s29], $0x500  }
0xeb: {  	[sflag:s29] =	ssyncset.done @p3 $0x0  }
0xec: {  	[sflag:s29] =	ssyncadd.s32 @p3 $0xFFFFFB00  }
0xed: {  	_ =	sfence.sel $0x180000  }
0xee: {  	[bflag:$0x0] =	sbarrier.arrive $0xFFFF  }
0xef: {  	p0 =	sne.s32 s0, $0x0;
	_ =	strace $0x9000004A  }
0xf0: {  	s0 =	sadd.s32 @!p0 $0x100000, s2;
	[bflag:$0x2] =	sbarrier.arrive $0xFFFF  }
0xf1: {  	[sflag:s0] =	ssyncadd.tile.s32 @!p0 $0x1;
	_ =	shalt  }
.Lfunc_end2:
_tile_overlayer_lowered:
.L_overlay_start_2:
0xf2: {  	(tag) =	ssettag $0x2  }
0xf3: {  	s0 =	rddreg [dreg:$0x0];
	s2 =	stileid.u32  }
0xf4: {  	s1 =	rddreg [dreg:$0x1];
	p0 =	sne.s32 s2, $0x0  }
0xf5: {  	s3 =	rddreg [dreg:$0x2];
	[bflag:$0x3] =	sbarrier.arrive $0xFFFF;
	s2 =	simm.s32 @!p0 $0x1C05  }
0xf6: {  	[timem:s3], [sflag:s2] =	dma.local @!p0 [hbm:s0], s1  }
0xf7: {  	s0 =	simm.s32 @!p0 $0x5  }
0xf8: {  	_ =	swait.ge @!p0 [sflag:s0], s1  }
0xf9: {  	s1 =	ssub.s32 @!p0 $0x0, s1;
	[sflag:s0] =	ssyncset.done @!p0 $0x0  }
0xfa: {  	[sflag:s0] =	ssyncadd.s32 @!p0 s1  }
0xfb: {  	[bflag:$0x3] =	sbarrier.arrive $0xFFFF  }
0xfc: {  	_ =	shalt  }

// kernel: kernel.15.cloned.1.call-start
scs
__scs_entry_jumppad:
0x0: {  	(pc) =	sbr.rel $0x88, $3  }
0x1: {  	(tag) =	ssettag $0x0;
	lr =	simm.s32 $0x1  }
0x2: {  	[smem:$0x3F9B] =	sst lr;
	_ =	strace $0xD0000000  }
0x3: {  	_ = 	snop  }
0x4: {  	_ = 	snop  }
0x5: {  	_ = 	snop  }
0x6: {  	_ = 	snop  }
0x7: {  	_ = 	snop  }
__scs_overlays_trampoline_lowered:
0x8: {  	[smem:$0x3FAA] =	sst s0  }
0x9: {  	[smem:$0x3FAB] =	sst s1  }
0xa: {  	[smem:$0x3FAC] =	sst s2  }
0xb: {  	[smem:$0x3FAD] =	sst s3  }
0xc: {  	[smem:$0x3FAE] =	sst s4  }
0xd: {  	[smem:$0x3FAF] =	sst s5  }
0xe: {  	[smem:$0x3FB0] =	sst s6  }
0xf: {  	[smem:$0x3FB1] =	sst s7  }
0x10: {  	[smem:$0x3FB2] =	sst s8  }
0x11: {  	[smem:$0x3FB3] =	sst s9;
	s0 =	simm.s32 @!p0 $0x0  }
0x12: {  	s1 =	sld [smem:$0x3F99];
	s0 =	simm.s32 @p0 $0x1  }
0x13: {  	[smem:$0x3FB4] =	sst s0;
	s0 =	simm.s32 @!p1 $0x0  }
0x14: {  	s2 =	sld [smem:$0x3F98];
	s0 =	simm.s32 @p1 $0x1  }
0x15: {  	[smem:$0x3FB5] =	sst s0;
	s0 =	simm.s32 @!p2 $0x0  }
0x16: {  	s3 =	sld [smem:$0x3FDB];
	s0 =	simm.s32 @p2 $0x1  }
0x17: {  	s4 =	simm.s32 $0x1BF5;
	[smem:$0x3FB7] =	sst s0  }
0x18: {  	s0 =	sld [smem:$0x3F9A];
	_ =	swait.ge [sflag:s4], $0x0  }
0x19: {  	s7 =	sld [smem:$0x3F9B]  }
0x1a: {  	s8 =	sadd.s32 $0xFFFFE003, lr  }
0x1b: {  	s9 =	sadd.s32 $0xFFFFFEF7, lr;
	s5 =	simm.s32 $0xFFFFFFFF;
	p2 =	slt.u32 s8, $0xFFFFF086  }
0x1c: {  	p1 =	slt.u32 s9, $0xF7A;
	s5 =	simm.s32 @!p2 $0x0  }
0x1d: {  	s5 =	simm.s32 @p1 $0x1;
	p0 =	seq.s32 s7, s2  }
0x1e: {  	s7 =	smul.u32 @!p0 $0xF7A, s2;
	p2 =	seq.s32 @!p0 s5, $0x0  }
0x1f: {  	s9 =	smul.u32 $0xF7A, s1;
	s8 =	simm.s32 @!p0 $0x1BF5;
	p2 =	por !p2, p0  }
0x20: {  	[sflag:s8] =	ssyncset.s32 @!p0 $0xFFFFF086;
	s6 =	sadd.s32 @!p0 s3, s7;
	s7 =	simm.s32 @!p0 $0x108  }
0x21: {  	s3 =	sadd.s32 s3, s9;
	s6 =	sadd.s32 @!p0 $0x88, s6;
	s7 =	simm.s32 @p2 $0x1082  }
0x22: {  	[simem:s7], [sflag:s8] =	dma.local @!p0 [hbm:s6], $0xF7A  }
0x23: {  	s9 =	sor.u32 $0xD0000000, s2;
	s6 =	simm.s32 $0x108;
	_ =	swait.ge @!p0 [sflag:s8], $0x0  }
0x24: {  	s3 =	sadd.s32 $0x88, s3;
	s6 =	simm.s32 @!p1 $0x1082;
	[sflag:s4] =	ssyncset.s32 $0xFFFFF086  }
0x25: {  	[simem:s6], [sflag:s4] =	dma.local [hbm:s3], $0xF7A  }
0x26: {  	[smem:$0x3F9B] =	sst s1;
	(tag) =	ssettag s2;
	_ =	strace s9  }
0x27: {  	s1 =	sld [smem:$0x3FAB]  }
0x28: {  	s2 =	sld [smem:$0x3FAC]  }
0x29: {  	s4 =	sld [smem:$0x3FAE]  }
0x2a: {  	p0 =	seq.s32 s5, $0x0;
	s5 =	sld [smem:$0x3FAF]  }
0x2b: {  	s6 =	sld [smem:$0x3FB0]  }
0x2c: {  	s7 =	sld [smem:$0x3FB1]  }
0x2d: {  	s3 =	simm.s32 $0x108;
	s8 =	sld [smem:$0x3FB2]  }
0x2e: {  	s3 =	simm.s32 @!p0 $0x1082;
	s9 =	sld [smem:$0x3FB3]  }
0x2f: {  	lr =	sadd.s32 s0, s3;
	s0 =	sld [smem:$0x3FAA]  }
0x30: {  	s3 =	sld [smem:$0x3FAD]  }
0x31: {  	[smem:$0x3FB6] =	sst s10  }
0x32: {  	s10 =	sld [smem:$0x3FB4];
	_ =	sdelay $0x3  }
0x33: {  	p0 =	seq.s32 s10, $0x1;
	s10 =	sld [smem:$0x3FB6];
	_ =	sdelay $0x3  }
0x34: {  	[smem:$0x3FB6] =	sst s10  }
0x35: {  	s10 =	sld [smem:$0x3FB5];
	_ =	sdelay $0x3  }
0x36: {  	p1 =	seq.s32 s10, $0x1;
	s10 =	sld [smem:$0x3FB6];
	_ =	sdelay $0x3  }
0x37: {  	[smem:$0x3FB6] =	sst s10  }
0x38: {  	s10 =	sld [smem:$0x3FB7]  }
0x39: {  	_ = 	snop;
	(pc) =	sbr.ind lr, $3  }
0x3a: {  	_ = 	snop  }
0x3b: {  	_ = 	snop  }
0x3c: {  	p2 =	seq.s32 s10, $0x1;
	s10 =	sld [smem:$0x3FB6]  }
0x3d: {  	_ =	shalt  }
0x3e: {  	_ =	shalt  }
0x3f: {  	_ =	shalt  }
0x40: {  	_ =	shalt  }
0x41: {  	_ =	shalt  }
0x42: {  	_ =	shalt  }
0x43: {  	_ =	shalt  }
0x44: {  	_ =	shalt  }
0x45: {  	_ =	shalt  }
0x46: {  	_ =	shalt  }
0x47: {  	_ =	shalt  }
0x48: {  	_ =	shalt  }
0x49: {  	_ =	shalt  }
0x4a: {  	_ =	shalt  }
0x4b: {  	_ =	shalt  }
0x4c: {  	_ =	shalt  }
0x4d: {  	_ =	shalt  }
0x4e: {  	_ =	shalt  }
0x4f: {  	_ =	shalt  }
0x50: {  	_ =	shalt  }
0x51: {  	_ =	shalt  }
0x52: {  	_ =	shalt  }
0x53: {  	_ =	shalt  }
0x54: {  	_ =	shalt  }
0x55: {  	_ =	shalt  }
0x56: {  	_ =	shalt  }
0x57: {  	_ =	shalt  }
0x58: {  	_ =	shalt  }
0x59: {  	_ =	shalt  }
0x5a: {  	_ =	shalt  }
0x5b: {  	_ =	shalt  }
0x5c: {  	_ =	shalt  }
0x5d: {  	_ =	shalt  }
0x5e: {  	_ =	shalt  }
0x5f: {  	_ =	shalt  }
0x60: {  	_ =	shalt  }
0x61: {  	_ =	shalt  }
0x62: {  	_ =	shalt  }
0x63: {  	_ =	shalt  }
0x64: {  	_ =	shalt  }
0x65: {  	_ =	shalt  }
0x66: {  	_ =	shalt  }
0x67: {  	_ =	shalt  }
0x68: {  	_ =	shalt  }
0x69: {  	_ =	shalt  }
0x6a: {  	_ =	shalt  }
0x6b: {  	_ =	shalt  }
0x6c: {  	_ =	shalt  }
0x6d: {  	_ =	shalt  }
0x6e: {  	_ =	shalt  }
0x6f: {  	_ =	shalt  }
0x70: {  	_ =	shalt  }
0x71: {  	_ =	shalt  }
0x72: {  	_ =	shalt  }
0x73: {  	_ =	shalt  }
0x74: {  	_ =	shalt  }
0x75: {  	_ =	shalt  }
0x76: {  	_ =	shalt  }
0x77: {  	_ =	shalt  }
0x78: {  	_ =	shalt  }
0x79: {  	_ =	shalt  }
0x7a: {  	_ =	shalt  }
0x7b: {  	_ =	shalt  }
0x7c: {  	_ =	shalt  }
0x7d: {  	_ =	shalt  }
0x7e: {  	_ =	shalt  }
0x7f: {  	_ =	shalt  }
0x80: {  	_ =	shalt  }
0x81: {  	_ =	shalt  }
0x82: {  	_ =	shalt  }
0x83: {  	_ =	shalt  }
0x84: {  	_ =	shalt  }
0x85: {  	_ =	shalt  }
0x86: {  	_ =	shalt  }
0x87: {  	_ =	shalt  }
.Lfunc_end0:
.L_simem_size_0:
called_computation.2_lowered:
.L_overlay_start_0:
0x88: {  	s2 =	sld [smem:$0x3FD9]  }
0x89: {  	s3 =	sld [smem:$0x3FFE];
	_ =	sdelay $0x1  }
0x8a: {  	s1 =	srdreg.scid  }
0x8b: {  	s0 =	sand.u32 $0x1, s1  }
0x8c: {  	s14 =	sshll.u32 s0, $0xA;
	s2 =	sadd.s32 s3, s2  }
0x8d: {  	s2 =	sadd.s32 s2, s14  }
0x8e: {  	[smem:$0x3FC2] =	sst s2  }
0x8f: {  	_ = 	snop  }
0x90: {  	s2 =	sld [smem:$0x3FD0];
	_ =	sdelay $0x2  }
0x91: {  	s15 =	simm.s32 $0xA;
	s4 =	simm.s32 $0x10  }
0x92: {  	[smem:s4], [sflag:s15] =	dma.local [hbm:s2], $0x1  }
0x93: {  	_ =	swait.eq [sflag:s15], $0x1  }
0x94: {  	[sflag:s15] =	ssyncset.done $0x0  }
0x95: {  	[sflag:s15] =	ssyncadd.s32 $0xFFFFFFFF  }
0x96: {  	s16 =	sld [smem:$0x10];
	(tm) =	ssettm $0x1  }
0x97: {  	s17 =	sld [smem:$0x3FFB];
	_ =	sdelay $0x3  }
0x98: {  	_ =	strace s17  }
0x99: {  	s3 =	sld [smem:$0x3FFC];
	_ =	sdelay $0x3  }
0x9a: {  	_ =	strace s3  }
0x9b: {  	s3 =	sld [smem:$0x3FFD];
	_ =	sdelay $0x3  }
0x9c: {  	_ =	strace s3  }
0x9d: {  	_ =	strace $0x8FFFFFFF  }
0x9e: {  	s18 =	sld [smem:$0x3FDB];
	_ =	sdelay $0x1  }
0x9f: {  	s19 =	simm.s32 $_scs_section_size  }
0xa0: {  	s5 =	simm.s32 $_size__tile_overlayer_lowered;
	s6 =	simm.s32 $_tile_overlayer_lowered  }
0xa1: {  	s22 =	simm.s32 $0x1BFF;
	s21 =	sshll.u32 s6, $0x1;
	s3 =	sadd.s32 s19, s18  }
0xa2: {  	s7 =	simm.s32 $0x0;
	s20 =	sshll.u32 s5, $0x1;
	s5 =	sadd.s32 s21, s3  }
0xa3: {  	[timem:s7], [sflag:s22] =	dma.local [hbm:s5], s20  }
0xa4: {  	_ =	swait.ge [sflag:s22], s20  }
0xa5: {  	s4 =	ssub.s32 $0x0, s20;
	[sflag:s22] =	ssyncset.done $0x0  }
0xa6: {  	[sflag:s22] =	ssyncadd.s32 s4;
	_ =	sdelay $0x1  }
0xa7: {  	s23 =	simm.s32 $0x1B8B  }
0xa8: {  	_ =	swait.ge [sflag:s23], $0x1  }
0xa9: {  	[sflag:s23] =	ssyncset.done $0x0  }
0xaa: {  	s25 =	simm.s32 $0x1B8E;
	s24 =	sld [smem:$0x3FFE];
	[sflag:s23] =	ssyncadd.s32 $0xFFFFFFFF  }
0xab: {  	s26 =	simm.s32 $execute0_lowered;
	[smem:$0x3FD2] =	sst s25  }
0xac: {  	s5 =	sshll.u32 s26, $0x1;
	_ =	strace $0x8000004C;
	[dreg:$0x1] =	wrdreg $0xFFFFFFFF  }
0xad: {  	s28 =	simm.s32 $_size_execute0_lowered;
	s3 =	sadd.s32 s3, s5;
	[dreg:$0x0] =	wrdreg $0x0  }
0xae: {  	s5 =	sshll.u32 s28, $0x1;
	[dreg:$0x2] =	wrdreg s3  }
0xaf: {  	[dreg:$0x3] =	wrdreg s5  }
0xb0: {  	[dreg:$0x4] =	wrdreg $0xC0  }
0xb1: {  	_ =	task [dreg:s7], $0x5FFFF  }
0xb2: {  	[dreg:$0x1] =	wrdreg $0xFFFFFFFF  }
0xb3: {  	[dreg:$0x0] =	wrdreg $0x60  }
0xb4: {  	[dreg:$0x2] =	wrdreg s24  }
0xb5: {  	[dreg:$0x3] =	wrdreg s16  }
0xb6: {  	[dreg:$0x4] =	wrdreg $0x56200  }
0xb7: {  	[dreg:$0x5] =	wrdreg $0x9  }
0xb8: {  	_ =	task.clear_ibuf [dreg:s7], $0x6FFFF;
	_ =	strace $0x9000004C  }
0xb9: {  	s29 =	simm.s32 $0x9;
	_ =	strace $0x8000004E  }
0xba: {  	_ =	swait.ge [sflag:s29], $0x1  }
0xbb: {  	[sflag:s29] =	ssyncadd.s32 $0xFFFFFFFF  }
0xbc: {  	_ =	strace $0x9000004E  }
0xbd: {  	_ =	sfence  }
0xbe: {  	s30 =	sld [smem:$0x0];
	_ =	sdelay $0x2  }
0xbf: {  	s31 =	sshll.u32 s1, $0xD;
	s1 =	sshrl.u32 s1, $0x2  }
0xc0: {  	s3 =	sand.u32 $0x4000, s31;
	s1 =	sadd.s32 s1, s30  }
0xc1: {  	s0 =	sor.u32 s3, s0;
	s1 =	sshll.u32 s1, $0x11  }
0xc2: {  	s0 =	sor.u32 s1, s0  }
0xc3: {  	s0 =	sadd.s32 $0x8F2B, s0  }
0xc4: {  	[sflag:s0] =	ssyncadd.remote.s32 $0x1  }
0xc5: {  	_ =	sfence.sel $0xFFFF  }
0xc6: {  	[dreg:$0x0] =	wrdreg $0xFFFFFFFF;
	(pc) =	sbr.abs _section_cstart, $3  }
0xc7: {  	[dreg:$0x1] =	wrdreg $0xFFFFFFFF  }
0xc8: {  	_ =	task.clear_ibuf [dreg:s7], $0x2FFFF;
	_ =	strace $0x9FFFFFFF  }
0xc9: {  	(tm) =	ssettm $0x7FFFFFFF  }
tec
execute0_lowered:
.L_overlay_start_1:
0x0: {  	(tag) =	ssettag $0x1  }
0x1: {  	s5 =	rddreg [dreg:$0x0]  }
0x2: {  	s7 =	rddreg [dreg:$0x1]  }
0x3: {  	s2 =	rddreg [dreg:$0x2]  }
0x4: {  	s0 =	rddreg [dreg:$0x3];
	s4 =	srdreg.scid  }
0x5: {  	s1 =	stileid.u32;
	s3 =	simm.s32 $0x0;
	s14 =	simm.s32 $0x4E20  }
0x6: {  	s15 =	simm.s32 $0x1;
	s16 =	simm.s32 $0x5220;
	s17 =	simm.s32 $0x2  }
0x7: {  	s18 =	simm.s32 $0x0;
	s4 =	sand.u32 $0x1, s4;
	s8 =	smul.u32 $0xFA00, s1  }
0x8: {  	[smem:$0x7FF] =	sst s3;
	s6 =	sshll.u32 s1, $0x1;
	p0 =	sgt.u32 s1, $0x9  }
0x9: {  	s9 =	smul.u32 $0xA0000, s4;
	_ =	strace $0x8000004D;
	s6 =	sor.u32 s4, s6  }
0xa: {  	s10 =	ssub.s32 $0x2, s4;
	s4 =	sadd.s32 $0x1CD200, s5;
	s12 =	sshll.u32 @!p0 s1, $0x6  }
0xb: {  	s6 =	smul.u32 $0x4E2, s6;
	s11 =	sshrl.u32 s10, $0x1;
	s31 =	sshrl.u32 s8, $0x3  }
0xc: {  	s13 =	sadd.s32 s8, s2;
	s12 =	sor.u32 @!p0 $0x1C03, s12;
	s9 =	sadd.s32 s8, s9  }
0xd: {  	s10 =	ssub.s32 s10, s11;
	s7 =	sadd.s32 s7, s31;
	s11 =	simm.s32 $0x2710  }
0xe: {  	s13 =	sshrl.u32 @!p0 s13, $0x3;
	s9 =	sshrl.u32 s9, $0x3;
	s6 =	sadd.s32 s6, s5  }
0xf: {  	s9 =	sadd.s32 s9, s5;
	s5 =	sadd.s32 $0x33400, s6;
	s6 =	sadd.s32 $0x29600, s6  }
0x10: {  	vm0 =	vmmov $0xffff;
	s8 =	sadd.s32 $0x1600, s9;
	s9 =	smax.u32 s10, $0x1;
	s10 =	simm.s32 $0x3  }
.LBB2_1:
0x11: {  	[tilespmem:s3], [sflag:$0x3] =	stream.linear.gather [hbm4b:s5+s3], $0x2710, $0x38;
	[tilespmem:$0xF260] =	vst v63  }
0x12: {  	_ =	swait.ge [sflag:s10], $0x2710  }
0x13: {  	[sflag:s10] =	ssyncset.done $0x0  }
0x14: {  	[sflag:s10] =	ssyncadd.s32 $0xFFFFD8F0  }
0x15: {  	[tilespmem:s11], [sflag:$0x3] =	stream.linear.gather [hbm4b:s6+s3], $0x2710, $0x38;
	[tilespmem:$0xF260] =	vst v63  }
0x16: {  	_ =	swait.ge [sflag:s10], $0x2710  }
0x17: {  	[sflag:s10] =	ssyncset.done $0x0  }
0x18: {  	s19 =	simm.s32 @!p0 $0x3;
	[sflag:s10] =	ssyncadd.s32 $0xFFFFD8F0  }
0x19: {  	[spmem:s13], [sflag:s12] =	dma.local @!p0 [hbm:s7], $0x1F40  }
0x1a: {  	_ =	swait.ge @!p0 [sflag:s19], $0x1F40  }
0x1b: {  	[sflag:s19] =	ssyncset.done @!p0 $0x0  }
0x1c: {  	[sflag:s19] =	ssyncadd.s32 @!p0 $0xFFFFE0C0  }
0x1d: {  	s31 =	simm.s32 $0x40;
	[bflag:$0x0] =	sbarrier.arrive $0xFFFF  }
0x1e: {  	v0 =	vld [tilespmem:s31+$0x2710]  }
0x1f: {  	v2 =	vld [tilespmem:s31+$0xFFFFFFC0]  }
0x20: {  	v1 =	vld [tilespmem:s31+$0x26F0]  }
0x21: {  	v3 =	vld [tilespmem:s31+$0x2700]  }
0x22: {  	v4 =	vld [tilespmem:s31+$0x26D0]  }
0x23: {  	v5 =	vld [tilespmem:s31+$0xFFFFFFF0]  }
0x24: {  	v6 =	vld [tilespmem:s31+$0xFFFFFFD0]  }
0x25: {  	v7 =	vld [tilespmem:s31+$0xFFFFFFE0]  }
0x26: {  	v8 =	vld [tilespmem:s31+$0x26E0]  }
0x27: {  	v9 =	vld [tilespmem:s31+$0x0];
	[tilespmem:s14], [sflag:$0x1] =	stream.indirect_vreg.gather [hbm4b:s4+s3], $0x40, v2, vm0, $0xb8  }
0x28: {  	_ =	swait.ge [sflag:s15], $0x400  }
0x29: {  	[sflag:s15] =	ssyncset.done $0x0  }
0x2a: {  	[sflag:s15] =	ssyncadd.s32 $0xFFFFFC00  }
0x2b: {  	[spmem:s2] =	stream.indirect_vreg.scatter.add.f32 [tilespmem:s14], [sflag:$0x2], $0x40, v4, vm0, $0xb8;
	[tilespmem:$0xF260] =	vst v63  }
0x2c: {  	_ = 	snop  }
0x2d: {  	[tilespmem:s16], [sflag:$0x1] =	stream.indirect_vreg.gather [hbm4b:s4+s3], $0x40, v6, vm0, $0xb8;
	[tilespmem:$0xF260] =	vst v63  }
0x2e: {  	_ =	swait.ge [sflag:s15], $0x400  }
0x2f: {  	[sflag:s15] =	ssyncset.done $0x0  }
0x30: {  	[sflag:s15] =	ssyncadd.s32 $0xFFFFFC00  }
0x31: {  	[spmem:s2] =	stream.indirect_vreg.scatter.add.f32 [tilespmem:s16], [sflag:$0x2], $0x40, v8, vm0, $0xb8;
	[tilespmem:$0xF260] =	vst v63  }
0x32: {  	_ =	swait.ge [sflag:s17], $0x400  }
0x33: {  	[sflag:s17] =	ssyncset.done $0x0  }
0x34: {  	[sflag:s17] =	ssyncadd.s32 $0xFFFFFC00  }
0x35: {  	[tilespmem:s14], [sflag:$0x1] =	stream.indirect_vreg.gather [hbm4b:s4+s3], $0x40, v7, vm0, $0xb8;
	[tilespmem:$0xF260] =	vst v63  }
0x36: {  	_ =	swait.ge [sflag:s15], $0x400  }
0x37: {  	[sflag:s15] =	ssyncset.done $0x0  }
0x38: {  	[sflag:s15] =	ssyncadd.s32 $0xFFFFFC00  }
0x39: {  	[spmem:s2] =	stream.indirect_vreg.scatter.add.f32 [tilespmem:s14], [sflag:$0x2], $0x40, v1, vm0, $0xb8;
	[tilespmem:$0xF260] =	vst v63  }
0x3a: {  	_ =	swait.ge [sflag:s17], $0x400  }
0x3b: {  	[sflag:s17] =	ssyncset.done $0x0  }
0x3c: {  	[sflag:s17] =	ssyncadd.s32 $0xFFFFFC00  }
0x3d: {  	[tilespmem:s16], [sflag:$0x1] =	stream.indirect_vreg.gather [hbm4b:s4+s3], $0x40, v5, vm0, $0xb8;
	[tilespmem:$0xF260] =	vst v63  }
0x3e: {  	_ =	swait.ge [sflag:s15], $0x400  }
0x3f: {  	[sflag:s15] =	ssyncset.done $0x0  }
0x40: {  	[sflag:s15] =	ssyncadd.s32 $0xFFFFFC00  }
0x41: {  	[spmem:s2] =	stream.indirect_vreg.scatter.add.f32 [tilespmem:s16], [sflag:$0x2], $0x40, v3, vm0, $0xb8;
	[tilespmem:$0xF260] =	vst v63  }
0x42: {  	_ =	swait.ge [sflag:s17], $0x400  }
0x43: {  	[sflag:s17] =	ssyncset.done $0x0  }
0x44: {  	[sflag:s17] =	ssyncadd.s32 $0xFFFFFC00  }
0x45: {  	[tilespmem:s14], [sflag:$0x1] =	stream.indirect_vreg.gather [hbm4b:s4+s3], $0x40, v9, vm0, $0xb8;
	[tilespmem:$0xF260] =	vst v63  }
0x46: {  	_ =	swait.ge [sflag:s15], $0x400  }
0x47: {  	[sflag:s15] =	ssyncset.done $0x0  }
0x48: {  	[sflag:s15] =	ssyncadd.s32 $0xFFFFFC00  }
0x49: {  	[spmem:s2] =	stream.indirect_vreg.scatter.add.f32 [tilespmem:s14], [sflag:$0x2], $0x40, v0, vm0, $0xb8;
	[tilespmem:$0xF260] =	vst v63  }
0x4a: {  	_ =	swait.ge [sflag:s17], $0x400  }
0x4b: {  	[sflag:s17] =	ssyncset.done $0x0  }
0x4c: {  	s19 =	simm.s32 $0x240;
	[sflag:s17] =	ssyncadd.s32 $0xFFFFFC00  }
.LBB2_2:
0x4d: {  	p1 =	sne.s32 s19, $0x9C00  }
0x4e: {  	_ =	swait.ge [sflag:s17], $0x400;
	s20 =	smov.u32 s19;
	s19 =	sadd.s32 $0x140, s19  }
0x4f: {  	[sflag:s17] =	ssyncset.done $0x0  }
0x50: {  	s20 =	sshra.s32 s20, $0x2;
	[sflag:s17] =	ssyncadd.s32 $0xFFFFFC00  }
0x51: {  	v0 =	vld [tilespmem:s20+$0x2710]  }
0x52: {  	v1 =	vld [tilespmem:s20+$0x26F0]  }
0x53: {  	v2 =	vld [tilespmem:s20+$0xFFFFFFC0]  }
0x54: {  	v3 =	vld [tilespmem:s20+$0x2700]  }
0x55: {  	v4 =	vld [tilespmem:s20+$0x26D0]  }
0x56: {  	v5 =	vld [tilespmem:s20+$0xFFFFFFF0]  }
0x57: {  	v6 =	vld [tilespmem:s20+$0xFFFFFFD0]  }
0x58: {  	v7 =	vld [tilespmem:s20+$0xFFFFFFE0]  }
0x59: {  	v8 =	vld [tilespmem:s20+$0x26E0]  }
0x5a: {  	v9 =	vld [tilespmem:s20+$0x0]  }
0x5b: {  	[tilespmem:s14], [sflag:$0x1] =	stream.indirect_vreg.gather [hbm4b:s4+s3], $0x40, v2, vm0, $0xb8;
	[tilespmem:$0xF260] =	vst v63  }
0x5c: {  	_ =	swait.ge [sflag:s15], $0x400  }
0x5d: {  	[sflag:s15] =	ssyncset.done $0x0  }
0x5e: {  	[sflag:s15] =	ssyncadd.s32 $0xFFFFFC00  }
0x5f: {  	[spmem:s2] =	stream.indirect_vreg.scatter.add.f32 [tilespmem:s14], [sflag:$0x2], $0x40, v4, vm0, $0xb8;
	[tilespmem:$0xF260] =	vst v63  }
0x60: {  	_ = 	snop  }
0x61: {  	[tilespmem:s16], [sflag:$0x1] =	stream.indirect_vreg.gather [hbm4b:s4+s3], $0x40, v6, vm0, $0xb8;
	[tilespmem:$0xF260] =	vst v63  }
0x62: {  	_ =	swait.ge [sflag:s15], $0x400  }
0x63: {  	[sflag:s15] =	ssyncset.done $0x0  }
0x64: {  	[sflag:s15] =	ssyncadd.s32 $0xFFFFFC00  }
0x65: {  	[spmem:s2] =	stream.indirect_vreg.scatter.add.f32 [tilespmem:s16], [sflag:$0x2], $0x40, v8, vm0, $0xb8;
	[tilespmem:$0xF260] =	vst v63  }
0x66: {  	_ =	swait.ge [sflag:s17], $0x400  }
0x67: {  	[sflag:s17] =	ssyncset.done $0x0  }
0x68: {  	[sflag:s17] =	ssyncadd.s32 $0xFFFFFC00  }
0x69: {  	[tilespmem:s14], [sflag:$0x1] =	stream.indirect_vreg.gather [hbm4b:s4+s3], $0x40, v7, vm0, $0xb8;
	[tilespmem:$0xF260] =	vst v63  }
0x6a: {  	_ =	swait.ge [sflag:s15], $0x400  }
0x6b: {  	[sflag:s15] =	ssyncset.done $0x0  }
0x6c: {  	[sflag:s15] =	ssyncadd.s32 $0xFFFFFC00  }
0x6d: {  	[spmem:s2] =	stream.indirect_vreg.scatter.add.f32 [tilespmem:s14], [sflag:$0x2], $0x40, v1, vm0, $0xb8;
	[tilespmem:$0xF260] =	vst v63  }
0x6e: {  	_ =	swait.ge [sflag:s17], $0x400  }
0x6f: {  	[sflag:s17] =	ssyncset.done $0x0  }
0x70: {  	[sflag:s17] =	ssyncadd.s32 $0xFFFFFC00  }
0x71: {  	[tilespmem:s16], [sflag:$0x1] =	stream.indirect_vreg.gather [hbm4b:s4+s3], $0x40, v5, vm0, $0xb8;
	[tilespmem:$0xF260] =	vst v63  }
0x72: {  	_ =	swait.ge [sflag:s15], $0x400  }
0x73: {  	[sflag:s15] =	ssyncset.done $0x0  }
0x74: {  	[sflag:s15] =	ssyncadd.s32 $0xFFFFFC00  }
0x75: {  	[spmem:s2] =	stream.indirect_vreg.scatter.add.f32 [tilespmem:s16], [sflag:$0x2], $0x40, v3, vm0, $0xb8;
	[tilespmem:$0xF260] =	vst v63  }
0x76: {  	_ =	swait.ge [sflag:s17], $0x400  }
0x77: {  	[sflag:s17] =	ssyncset.done $0x0  }
0x78: {  	[sflag:s17] =	ssyncadd.s32 $0xFFFFFC00  }
0x79: {  	[tilespmem:s14], [sflag:$0x1] =	stream.indirect_vreg.gather [hbm4b:s4+s3], $0x40, v9, vm0, $0xb8;
	[tilespmem:$0xF260] =	vst v63  }
0x7a: {  	_ =	swait.ge [sflag:s15], $0x400  }
0x7b: {  	[sflag:s15] =	ssyncset.done $0x0  }
.Ltmp0:
0x7c: {  	[sflag:s15] =	ssyncadd.s32 $0xFFFFFC00;
	(pc) =	sbr.rel @p1 .LBB2_2-.Ltmp0, $4  }
0x7d: {  	[spmem:s2] =	stream.indirect_vreg.scatter.add.f32 [tilespmem:s14], [sflag:$0x2], $0x40, v0, vm0, $0xb8;
	[tilespmem:$0xF260] =	vst v63  }
0x7e: {  	_ =	swait.ge [sflag:s17], $0x400  }
0x7f: {  	[sflag:s17] =	ssyncset.done $0x0  }
0x80: {  	[sflag:s17] =	ssyncadd.s32 $0xFFFFFC00  }
0x81: {  	_ =	swait.ge [sflag:s17], $0x400  }
0x82: {  	s18 =	sadd.s32 $0x1, s18;
	[sflag:s17] =	ssyncset.done $0x0  }
0x83: {  	p1 =	sne.s32 s18, s9;
	[sflag:s17] =	ssyncadd.s32 $0xFFFFFC00  }
.Ltmp1:
0x84: {  	s19 =	simm.s32 @!p0 $0x3;
	[bflag:$0x0] =	sbarrier.arrive $0xFFFF;
	(pc) =	sbr.rel @p1 .LBB2_1-.Ltmp1, $4  }
0x85: {  	[hbm:s8], [sflag:s12] =	dma.local @!p0 [spmem:s13], $0x1F40  }
0x86: {  	_ =	swait.ge @!p0 [sflag:s19], $0x1F40  }
0x87: {  	[sflag:s19] =	ssyncset.done @!p0 $0x0  }
0x88: {  	[sflag:s19] =	ssyncadd.s32 @!p0 $0xFFFFE0C0  }
0x89: {  	_ =	sfence.sel $0x180000  }
0x8a: {  	[bflag:$0x0] =	sbarrier.arrive $0xFFFF  }
0x8b: {  	p0 =	sne.s32 s1, $0x0;
	_ =	strace $0x9000004D  }
0x8c: {  	s0 =	sadd.s32 @!p0 $0x100000, s0;
	[bflag:$0x2] =	sbarrier.arrive $0xFFFF  }
0x8d: {  	[sflag:s0] =	ssyncadd.tile.s32 @!p0 $0x1;
	_ =	shalt  }
.Lfunc_end2:
_tile_overlayer_lowered:
.L_overlay_start_2:
0x8e: {  	(tag) =	ssettag $0x2  }
0x8f: {  	s0 =	rddreg [dreg:$0x0];
	s2 =	stileid.u32  }
0x90: {  	s1 =	rddreg [dreg:$0x1];
	p0 =	sne.s32 s2, $0x0  }
0x91: {  	s3 =	rddreg [dreg:$0x2];
	[bflag:$0x3] =	sbarrier.arrive $0xFFFF;
	s2 =	simm.s32 @!p0 $0x1C03  }
0x92: {  	[timem:s3], [sflag:s2] =	dma.local @!p0 [hbm:s0], s1  }
0x93: {  	s0 =	simm.s32 @!p0 $0x3  }
0x94: {  	_ =	swait.ge @!p0 [sflag:s0], s1  }
0x95: {  	s1 =	ssub.s32 @!p0 $0x0, s1;
	[sflag:s0] =	ssyncset.done @!p0 $0x0  }
0x96: {  	[sflag:s0] =	ssyncadd.s32 @!p0 s1  }
0x97: {  	[bflag:$0x3] =	sbarrier.arrive $0xFFFF  }
0x98: {  	_ =	shalt  }

// kernel: kernel.9.cloned.1.call-start
scs
__scs_entry_jumppad:
0x0: {  	(pc) =	sbr.rel $0x88, $3  }
0x1: {  	(tag) =	ssettag $0x0;
	lr =	simm.s32 $0x1  }
0x2: {  	[smem:$0x3F9B] =	sst lr;
	_ =	strace $0xD0000000  }
0x3: {  	_ = 	snop  }
0x4: {  	_ = 	snop  }
0x5: {  	_ = 	snop  }
0x6: {  	_ = 	snop  }
0x7: {  	_ = 	snop  }
__scs_overlays_trampoline_lowered:
0x8: {  	[smem:$0x3FAA] =	sst s0  }
0x9: {  	[smem:$0x3FAB] =	sst s1  }
0xa: {  	[smem:$0x3FAC] =	sst s2  }
0xb: {  	[smem:$0x3FAD] =	sst s3  }
0xc: {  	[smem:$0x3FAE] =	sst s4  }
0xd: {  	[smem:$0x3FAF] =	sst s5  }
0xe: {  	[smem:$0x3FB0] =	sst s6  }
0xf: {  	[smem:$0x3FB1] =	sst s7  }
0x10: {  	[smem:$0x3FB2] =	sst s8  }
0x11: {  	[smem:$0x3FB3] =	sst s9;
	s0 =	simm.s32 @!p0 $0x0  }
0x12: {  	s1 =	sld [smem:$0x3F99];
	s0 =	simm.s32 @p0 $0x1  }
0x13: {  	[smem:$0x3FB4] =	sst s0;
	s0 =	simm.s32 @!p1 $0x0  }
0x14: {  	s2 =	sld [smem:$0x3F98];
	s0 =	simm.s32 @p1 $0x1  }
0x15: {  	[smem:$0x3FB5] =	sst s0;
	s0 =	simm.s32 @!p2 $0x0  }
0x16: {  	s3 =	sld [smem:$0x3FDB];
	s0 =	simm.s32 @p2 $0x1  }
0x17: {  	s4 =	simm.s32 $0x1BF5;
	[smem:$0x3FB7] =	sst s0  }
0x18: {  	s0 =	sld [smem:$0x3F9A];
	_ =	swait.ge [sflag:s4], $0x0  }
0x19: {  	s7 =	sld [smem:$0x3F9B]  }
0x1a: {  	s8 =	sadd.s32 $0xFFFFE003, lr  }
0x1b: {  	s9 =	sadd.s32 $0xFFFFFEF7, lr;
	s5 =	simm.s32 $0xFFFFFFFF;
	p2 =	slt.u32 s8, $0xFFFFF086  }
0x1c: {  	p1 =	slt.u32 s9, $0xF7A;
	s5 =	simm.s32 @!p2 $0x0  }
0x1d: {  	s5 =	simm.s32 @p1 $0x1;
	p0 =	seq.s32 s7, s2  }
0x1e: {  	s7 =	smul.u32 @!p0 $0xF7A, s2;
	p2 =	seq.s32 @!p0 s5, $0x0  }
0x1f: {  	s9 =	smul.u32 $0xF7A, s1;
	s8 =	simm.s32 @!p0 $0x1BF5;
	p2 =	por !p2, p0  }
0x20: {  	[sflag:s8] =	ssyncset.s32 @!p0 $0xFFFFF086;
	s6 =	sadd.s32 @!p0 s3, s7;
	s7 =	simm.s32 @!p0 $0x108  }
0x21: {  	s3 =	sadd.s32 s3, s9;
	s6 =	sadd.s32 @!p0 $0x88, s6;
	s7 =	simm.s32 @p2 $0x1082  }
0x22: {  	[simem:s7], [sflag:s8] =	dma.local @!p0 [hbm:s6], $0xF7A  }
0x23: {  	s9 =	sor.u32 $0xD0000000, s2;
	s6 =	simm.s32 $0x108;
	_ =	swait.ge @!p0 [sflag:s8], $0x0  }
0x24: {  	s3 =	sadd.s32 $0x88, s3;
	s6 =	simm.s32 @!p1 $0x1082;
	[sflag:s4] =	ssyncset.s32 $0xFFFFF086  }
0x25: {  	[simem:s6], [sflag:s4] =	dma.local [hbm:s3], $0xF7A  }
0x26: {  	[smem:$0x3F9B] =	sst s1;
	(tag) =	ssettag s2;
	_ =	strace s9  }
0x27: {  	s1 =	sld [smem:$0x3FAB]  }
0x28: {  	s2 =	sld [smem:$0x3FAC]  }
0x29: {  	s4 =	sld [smem:$0x3FAE]  }
0x2a: {  	p0 =	seq.s32 s5, $0x0;
	s5 =	sld [smem:$0x3FAF]  }
0x2b: {  	s6 =	sld [smem:$0x3FB0]  }
0x2c: {  	s7 =	sld [smem:$0x3FB1]  }
0x2d: {  	s3 =	simm.s32 $0x108;
	s8 =	sld [smem:$0x3FB2]  }
0x2e: {  	s3 =	simm.s32 @!p0 $0x1082;
	s9 =	sld [smem:$0x3FB3]  }
0x2f: {  	lr =	sadd.s32 s0, s3;
	s0 =	sld [smem:$0x3FAA]  }
0x30: {  	s3 =	sld [smem:$0x3FAD]  }
0x31: {  	[smem:$0x3FB6] =	sst s10  }
0x32: {  	s10 =	sld [smem:$0x3FB4];
	_ =	sdelay $0x3  }
0x33: {  	p0 =	seq.s32 s10, $0x1;
	s10 =	sld [smem:$0x3FB6];
	_ =	sdelay $0x3  }
0x34: {  	[smem:$0x3FB6] =	sst s10  }
0x35: {  	s10 =	sld [smem:$0x3FB5];
	_ =	sdelay $0x3  }
0x36: {  	p1 =	seq.s32 s10, $0x1;
	s10 =	sld [smem:$0x3FB6];
	_ =	sdelay $0x3  }
0x37: {  	[smem:$0x3FB6] =	sst s10  }
0x38: {  	s10 =	sld [smem:$0x3FB7]  }
0x39: {  	_ = 	snop;
	(pc) =	sbr.ind lr, $3  }
0x3a: {  	_ = 	snop  }
0x3b: {  	_ = 	snop  }
0x3c: {  	p2 =	seq.s32 s10, $0x1;
	s10 =	sld [smem:$0x3FB6]  }
0x3d: {  	_ =	shalt  }
0x3e: {  	_ =	shalt  }
0x3f: {  	_ =	shalt  }
0x40: {  	_ =	shalt  }
0x41: {  	_ =	shalt  }
0x42: {  	_ =	shalt  }
0x43: {  	_ =	shalt  }
0x44: {  	_ =	shalt  }
0x45: {  	_ =	shalt  }
0x46: {  	_ =	shalt  }
0x47: {  	_ =	shalt  }
0x48: {  	_ =	shalt  }
0x49: {  	_ =	shalt  }
0x4a: {  	_ =	shalt  }
0x4b: {  	_ =	shalt  }
0x4c: {  	_ =	shalt  }
0x4d: {  	_ =	shalt  }
0x4e: {  	_ =	shalt  }
0x4f: {  	_ =	shalt  }
0x50: {  	_ =	shalt  }
0x51: {  	_ =	shalt  }
0x52: {  	_ =	shalt  }
0x53: {  	_ =	shalt  }
0x54: {  	_ =	shalt  }
0x55: {  	_ =	shalt  }
0x56: {  	_ =	shalt  }
0x57: {  	_ =	shalt  }
0x58: {  	_ =	shalt  }
0x59: {  	_ =	shalt  }
0x5a: {  	_ =	shalt  }
0x5b: {  	_ =	shalt  }
0x5c: {  	_ =	shalt  }
0x5d: {  	_ =	shalt  }
0x5e: {  	_ =	shalt  }
0x5f: {  	_ =	shalt  }
0x60: {  	_ =	shalt  }
0x61: {  	_ =	shalt  }
0x62: {  	_ =	shalt  }
0x63: {  	_ =	shalt  }
0x64: {  	_ =	shalt  }
0x65: {  	_ =	shalt  }
0x66: {  	_ =	shalt  }
0x67: {  	_ =	shalt  }
0x68: {  	_ =	shalt  }
0x69: {  	_ =	shalt  }
0x6a: {  	_ =	shalt  }
0x6b: {  	_ =	shalt  }
0x6c: {  	_ =	shalt  }
0x6d: {  	_ =	shalt  }
0x6e: {  	_ =	shalt  }
0x6f: {  	_ =	shalt  }
0x70: {  	_ =	shalt  }
0x71: {  	_ =	shalt  }
0x72: {  	_ =	shalt  }
0x73: {  	_ =	shalt  }
0x74: {  	_ =	shalt  }
0x75: {  	_ =	shalt  }
0x76: {  	_ =	shalt  }
0x77: {  	_ =	shalt  }
0x78: {  	_ =	shalt  }
0x79: {  	_ =	shalt  }
0x7a: {  	_ =	shalt  }
0x7b: {  	_ =	shalt  }
0x7c: {  	_ =	shalt  }
0x7d: {  	_ =	shalt  }
0x7e: {  	_ =	shalt  }
0x7f: {  	_ =	shalt  }
0x80: {  	_ =	shalt  }
0x81: {  	_ =	shalt  }
0x82: {  	_ =	shalt  }
0x83: {  	_ =	shalt  }
0x84: {  	_ =	shalt  }
0x85: {  	_ =	shalt  }
0x86: {  	_ =	shalt  }
0x87: {  	_ =	shalt  }
.Lfunc_end0:
.L_simem_size_0:
called_computation_lowered:
.L_overlay_start_0:
0x88: {  	s2 =	sld [smem:$0x3FD9]  }
0x89: {  	s3 =	sld [smem:$0x3FFE];
	_ =	sdelay $0x1  }
0x8a: {  	s1 =	srdreg.scid  }
0x8b: {  	s0 =	sand.u32 $0x1, s1  }
0x8c: {  	s14 =	sshll.u32 s0, $0xA;
	s2 =	sadd.s32 s3, s2  }
0x8d: {  	s2 =	sadd.s32 s2, s14  }
0x8e: {  	[smem:$0x3FC2] =	sst s2  }
0x8f: {  	_ = 	snop  }
0x90: {  	s2 =	sld [smem:$0x3FD0];
	_ =	sdelay $0x2  }
0x91: {  	s4 =	simm.s32 $0xA;
	s5 =	simm.s32 $0x10;
	s15 =	sld [smem:$0x3FC6]  }
0x92: {  	[smem:s5], [sflag:s4] =	dma.local [hbm:s2], $0x1  }
0x93: {  	_ =	swait.eq [sflag:s4], $0x1  }
0x94: {  	[sflag:s4] =	ssyncset.done $0x0  }
0x95: {  	[sflag:s4] =	ssyncadd.s32 $0xFFFFFFFF  }
0x96: {  	s16 =	sld [smem:$0x10];
	(tm) =	ssettm $0x1  }
0x97: {  	s17 =	sld [smem:$0x3FFB];
	_ =	sdelay $0x3  }
0x98: {  	_ =	strace s17  }
0x99: {  	s4 =	sld [smem:$0x3FFC];
	_ =	sdelay $0x3  }
0x9a: {  	_ =	strace s4  }
0x9b: {  	s4 =	sld [smem:$0x3FFD];
	_ =	sdelay $0x3  }
0x9c: {  	_ =	strace s4  }
0x9d: {  	_ =	strace $0x8FFFFFFF  }
0x9e: {  	s18 =	sld [smem:$0x3FDB];
	_ =	sdelay $0x1  }
0x9f: {  	s19 =	simm.s32 $_scs_section_size  }
0xa0: {  	s6 =	simm.s32 $_size__tile_overlayer_lowered;
	s7 =	simm.s32 $_tile_overlayer_lowered  }
0xa1: {  	s22 =	simm.s32 $0x1BFF;
	s21 =	sshll.u32 s7, $0x1;
	s4 =	sadd.s32 s19, s18  }
0xa2: {  	s8 =	simm.s32 $0x0;
	s20 =	sshll.u32 s6, $0x1;
	s6 =	sadd.s32 s21, s4  }
0xa3: {  	[timem:s8], [sflag:s22] =	dma.local [hbm:s6], s20  }
0xa4: {  	_ =	swait.ge [sflag:s22], s20  }
0xa5: {  	s5 =	ssub.s32 $0x0, s20;
	[sflag:s22] =	ssyncset.done $0x0  }
0xa6: {  	[sflag:s22] =	ssyncadd.s32 s5;
	_ =	sdelay $0x1  }
0xa7: {  	s23 =	simm.s32 $0x1B8B  }
0xa8: {  	_ =	swait.ge [sflag:s23], $0x1  }
0xa9: {  	[sflag:s23] =	ssyncset.done $0x0  }
0xaa: {  	s25 =	simm.s32 $0x1B8E;
	s24 =	sld [smem:$0x3FFE];
	[sflag:s23] =	ssyncadd.s32 $0xFFFFFFFF  }
0xab: {  	s26 =	simm.s32 $execute0_lowered;
	[smem:$0x3FD2] =	sst s25  }
0xac: {  	s6 =	sshll.u32 s26, $0x1;
	_ =	strace $0x80000046;
	[dreg:$0x1] =	wrdreg $0xFFFFFFFF  }
0xad: {  	s28 =	simm.s32 $_size_execute0_lowered;
	s4 =	sadd.s32 s4, s6;
	[dreg:$0x0] =	wrdreg $0x0  }
0xae: {  	s6 =	sshll.u32 s28, $0x1;
	[dreg:$0x2] =	wrdreg s4  }
0xaf: {  	[dreg:$0x3] =	wrdreg s6  }
0xb0: {  	[dreg:$0x4] =	wrdreg $0xC0  }
0xb1: {  	_ =	task [dreg:s8], $0x5FFFF  }
0xb2: {  	[dreg:$0x1] =	wrdreg $0xFFFFFFFF  }
0xb3: {  	[dreg:$0x0] =	wrdreg $0x60  }
0xb4: {  	[dreg:$0x2] =	wrdreg s15  }
0xb5: {  	[dreg:$0x3] =	wrdreg s16  }
0xb6: {  	[dreg:$0x4] =	wrdreg s24  }
0xb7: {  	[dreg:$0x5] =	wrdreg $0x9  }
0xb8: {  	_ =	task.clear_ibuf [dreg:s8], $0x6FFFF;
	_ =	strace $0x90000046  }
0xb9: {  	s29 =	simm.s32 $0x9;
	_ =	strace $0x80000048  }
0xba: {  	_ =	swait.ge [sflag:s29], $0x1  }
0xbb: {  	[sflag:s29] =	ssyncadd.s32 $0xFFFFFFFF  }
0xbc: {  	_ =	strace $0x90000048  }
0xbd: {  	_ =	sfence  }
0xbe: {  	s30 =	sld [smem:$0x0];
	_ =	sdelay $0x2  }
0xbf: {  	s31 =	sshll.u32 s1, $0xD;
	s1 =	sshrl.u32 s1, $0x2  }
0xc0: {  	s3 =	sand.u32 $0x4000, s31;
	s1 =	sadd.s32 s1, s30  }
0xc1: {  	s0 =	sor.u32 s3, s0;
	s1 =	sshll.u32 s1, $0x11  }
0xc2: {  	s0 =	sor.u32 s1, s0  }
0xc3: {  	s0 =	sadd.s32 $0x8F2B, s0  }
0xc4: {  	[sflag:s0] =	ssyncadd.remote.s32 $0x1  }
0xc5: {  	_ =	sfence.sel $0xFFFF  }
0xc6: {  	[dreg:$0x0] =	wrdreg $0xFFFFFFFF;
	(pc) =	sbr.abs _section_cstart, $3  }
0xc7: {  	[dreg:$0x1] =	wrdreg $0xFFFFFFFF  }
0xc8: {  	_ =	task.clear_ibuf [dreg:s8], $0x2FFFF;
	_ =	strace $0x9FFFFFFF  }
0xc9: {  	(tm) =	ssettm $0x7FFFFFFF  }
tec
execute0_lowered:
.L_overlay_start_1:
0x0: {  	(tag) =	ssettag $0x1  }
0x1: {  	s2 =	rddreg [dreg:$0x0]  }
0x2: {  	s4 =	rddreg [dreg:$0x1]  }
0x3: {  	s1 =	srdreg.scid;
	s0 =	stileid.u32  }
0x4: {  	s9 =	rddreg [dreg:$0x2];
	s14 =	sand.u32 $0x1, s1;
	s5 =	sshll.u32 s0, $0x1  }
0x5: {  	s3 =	simm.s32 $0x0;
	s1 =	rddreg [dreg:$0x3];
	s10 =	sor.u32 s14, s5  }
0x6: {  	[smem:$0x7FF] =	sst s3;
	s5 =	sshll.u32 s10, $0x6  }
0x7: {  	_ =	strace $0x80000047;
	s5 =	sadd.s32 s4, s5;
	s4 =	simm.s32 $0x2  }
0x8: {  	[tilespmem:s3], [sflag:$0x2] =	stream.linear.gather [hbm4b:s5+s3], $0x200, $0x38;
	[tilespmem:$0x2A00] =	vst v63  }
0x9: {  	_ =	swait.ge [sflag:s4], $0x200  }
0xa: {  	s6 =	simm.s32 $0x50;
	[sflag:s4] =	ssyncset.done $0x0  }
0xb: {  	s7 =	simm.s32 $0x200;
	s8 =	simm.s32 $0x1;
	[sflag:s4] =	ssyncadd.s32 $0xFFFFFE00  }
0xc: {  	[tilespmem:s7], [sflag:$0x1] =	stream.indirect.gather [hbm4b:s2+s6], $0x80, s3, s6, $0xb8;
	[tilespmem:$0x2A00] =	vst v63  }
0xd: {  	s11 =	smul.u32 $0x1400, s10;
	_ =	swait.ge [sflag:s8], $0x2800  }
0xe: {  	s12 =	sadd.s32 $0x1600, s9;
	[sflag:s8] =	ssyncset.done $0x0  }
0xf: {  	s9 =	sadd.s32 s12, s11;
	[sflag:s8] =	ssyncadd.s32 $0xFFFFD800  }
0x10: {  	[hbm4b:s9+s3] =	stream.linear.scatter [tilespmem:s7], [sflag:$0x2], $0x2800, $0x38;
	[tilespmem:$0x2A00] =	vst v63  }
0x11: {  	_ =	swait.ge [sflag:s4], $0x2800  }
0x12: {  	[sflag:s4] =	ssyncset.done $0x0  }
0x13: {  	s31 =	smul.u32 $0xA000, s10;
	s10 =	simm.s32 $0x80;
	[sflag:s4] =	ssyncadd.s32 $0xFFFFD800  }
0x14: {  	[tilespmem:s7], [sflag:$0x1] =	stream.indirect.gather [hbm4b:s2+s6], $0x80, s10, s6, $0xb8;
	[tilespmem:$0x2A00] =	vst v63  }
0x15: {  	s11 =	sshrl.u32 s31, $0x3;
	_ =	swait.ge [sflag:s8], $0x2800  }
0x16: {  	s15 =	sadd.s32 s12, s11;
	[sflag:s8] =	ssyncset.done $0x0  }
0x17: {  	s11 =	sadd.s32 $0x500, s15;
	[sflag:s8] =	ssyncadd.s32 $0xFFFFD800  }
0x18: {  	[hbm4b:s11+s3] =	stream.linear.scatter [tilespmem:s7], [sflag:$0x2], $0x2800, $0x38;
	[tilespmem:$0x2A00] =	vst v63  }
0x19: {  	_ =	swait.ge [sflag:s4], $0x2800  }
0x1a: {  	[sflag:s4] =	ssyncset.done $0x0  }
0x1b: {  	s12 =	simm.s32 $0x100;
	[sflag:s4] =	ssyncadd.s32 $0xFFFFD800  }
0x1c: {  	[tilespmem:s7], [sflag:$0x1] =	stream.indirect.gather [hbm4b:s2+s6], $0x80, s12, s6, $0xb8;
	[tilespmem:$0x2A00] =	vst v63  }
0x1d: {  	_ =	swait.ge [sflag:s8], $0x2800  }
0x1e: {  	[sflag:s8] =	ssyncset.done $0x0  }
0x1f: {  	s16 =	ssub.s32 $0x2, s14;
	s13 =	sadd.s32 $0xA00, s15;
	[sflag:s8] =	ssyncadd.s32 $0xFFFFD800  }
0x20: {  	[hbm4b:s13+s3] =	stream.linear.scatter [tilespmem:s7], [sflag:$0x2], $0x2800, $0x38;
	[tilespmem:$0x2A00] =	vst v63  }
0x21: {  	s17 =	sshrl.u32 s16, $0x1;
	_ =	swait.ge [sflag:s4], $0x2800  }
0x22: {  	s16 =	ssub.s32 s16, s17;
	[sflag:s4] =	ssyncset.done $0x0  }
0x23: {  	s14 =	simm.s32 $0x180;
	s16 =	smax.u32 s16, $0x1;
	[sflag:s4] =	ssyncadd.s32 $0xFFFFD800  }
0x24: {  	[tilespmem:s7], [sflag:$0x1] =	stream.indirect.gather [hbm4b:s2+s6], $0x80, s14, s6, $0xb8;
	[tilespmem:$0x2A00] =	vst v63  }
0x25: {  	p0 =	sne.s32 s16, $0x1;
	_ =	swait.ge [sflag:s8], $0x2800  }
.Ltmp0:
0x26: {  	[sflag:s8] =	ssyncset.done $0x0;
	(pc) =	sbr.rel @!p0 .LBB2_2-.Ltmp0, $4  }
0x27: {  	s15 =	sadd.s32 $0xF00, s15;
	[sflag:s8] =	ssyncadd.s32 $0xFFFFD800  }
0x28: {  	[hbm4b:s15+s3] =	stream.linear.scatter [tilespmem:s7], [sflag:$0x2], $0x2800, $0x38;
	[tilespmem:$0x2A00] =	vst v63  }
0x29: {  	_ =	swait.ge [sflag:s4], $0x2800  }
0x2a: {  	s16 =	sadd.s32 $0xFFFFFFFF, s16;
	[sflag:s4] =	ssyncset.done $0x0  }
.LBB2_1:
0x2b: {  	p0 =	sne.s32 s16, $0x1;
	s16 =	sadd.s32 $0xFFFFFFFF, s16;
	[sflag:s4] =	ssyncadd.s32 $0xFFFFD800  }
0x2c: {  	[tilespmem:s3], [sflag:$0x2] =	stream.linear.gather [hbm4b:s5+s3], $0x200, $0x38;
	[tilespmem:$0x2A00] =	vst v63  }
0x2d: {  	_ =	swait.ge [sflag:s4], $0x200  }
0x2e: {  	[sflag:s4] =	ssyncset.done $0x0  }
0x2f: {  	[sflag:s4] =	ssyncadd.s32 $0xFFFFFE00  }
0x30: {  	[tilespmem:s7], [sflag:$0x1] =	stream.indirect.gather [hbm4b:s2+s6], $0x80, s3, s6, $0xb8;
	[tilespmem:$0x2A00] =	vst v63  }
0x31: {  	_ =	swait.ge [sflag:s8], $0x2800  }
0x32: {  	[sflag:s8] =	ssyncset.done $0x0  }
0x33: {  	[sflag:s8] =	ssyncadd.s32 $0xFFFFD800  }
0x34: {  	[hbm4b:s9+s3] =	stream.linear.scatter [tilespmem:s7], [sflag:$0x2], $0x2800, $0x38;
	[tilespmem:$0x2A00] =	vst v63  }
0x35: {  	_ =	swait.ge [sflag:s4], $0x2800  }
0x36: {  	[sflag:s4] =	ssyncset.done $0x0  }
0x37: {  	[sflag:s4] =	ssyncadd.s32 $0xFFFFD800  }
0x38: {  	[tilespmem:s7], [sflag:$0x1] =	stream.indirect.gather [hbm4b:s2+s6], $0x80, s10, s6, $0xb8;
	[tilespmem:$0x2A00] =	vst v63  }
0x39: {  	_ =	swait.ge [sflag:s8], $0x2800  }
0x3a: {  	[sflag:s8] =	ssyncset.done $0x0  }
0x3b: {  	[sflag:s8] =	ssyncadd.s32 $0xFFFFD800  }
0x3c: {  	[hbm4b:s11+s3] =	stream.linear.scatter [tilespmem:s7], [sflag:$0x2], $0x2800, $0x38;
	[tilespmem:$0x2A00] =	vst v63  }
0x3d: {  	_ =	swait.ge [sflag:s4], $0x2800  }
0x3e: {  	[sflag:s4] =	ssyncset.done $0x0  }
0x3f: {  	[sflag:s4] =	ssyncadd.s32 $0xFFFFD800  }
0x40: {  	[tilespmem:s7], [sflag:$0x1] =	stream.indirect.gather [hbm4b:s2+s6], $0x80, s12, s6, $0xb8;
	[tilespmem:$0x2A00] =	vst v63  }
0x41: {  	_ =	swait.ge [sflag:s8], $0x2800  }
0x42: {  	[sflag:s8] =	ssyncset.done $0x0  }
0x43: {  	[sflag:s8] =	ssyncadd.s32 $0xFFFFD800  }
0x44: {  	[hbm4b:s13+s3] =	stream.linear.scatter [tilespmem:s7], [sflag:$0x2], $0x2800, $0x38;
	[tilespmem:$0x2A00] =	vst v63  }
0x45: {  	_ =	swait.ge [sflag:s4], $0x2800  }
0x46: {  	[sflag:s4] =	ssyncset.done $0x0  }
0x47: {  	[sflag:s4] =	ssyncadd.s32 $0xFFFFD800  }
0x48: {  	[tilespmem:s7], [sflag:$0x1] =	stream.indirect.gather [hbm4b:s2+s6], $0x80, s14, s6, $0xb8;
	[tilespmem:$0x2A00] =	vst v63  }
0x49: {  	_ =	swait.ge [sflag:s8], $0x2800  }
.Ltmp1:
0x4a: {  	[sflag:s8] =	ssyncset.done $0x0;
	(pc) =	sbr.rel @p0 .LBB2_1-.Ltmp1, $4  }
0x4b: {  	[sflag:s8] =	ssyncadd.s32 $0xFFFFD800  }
0x4c: {  	[hbm4b:s15+s3] =	stream.linear.scatter [tilespmem:s7], [sflag:$0x2], $0x2800, $0x38;
	[tilespmem:$0x2A00] =	vst v63  }
0x4d: {  	_ =	swait.ge [sflag:s4], $0x2800  }
0x4e: {  	[sflag:s4] =	ssyncset.done $0x0  }
.LBB2_2:
0x4f: {  	[sflag:s4] =	ssyncadd.s32 $0xFFFFD800  }
0x50: {  	_ =	sfence.sel $0x180000  }
0x51: {  	[bflag:$0x0] =	sbarrier.arrive $0xFFFF  }
0x52: {  	p0 =	sne.s32 s0, $0x0;
	_ =	strace $0x90000047  }
0x53: {  	s0 =	sadd.s32 @!p0 $0x100000, s1;
	[bflag:$0x2] =	sbarrier.arrive $0xFFFF  }
0x54: {  	[sflag:s0] =	ssyncadd.tile.s32 @!p0 $0x1;
	_ =	shalt  }
.Lfunc_end2:
_tile_overlayer_lowered:
.L_overlay_start_2:
0x55: {  	(tag) =	ssettag $0x2  }
0x56: {  	s0 =	rddreg [dreg:$0x0];
	s2 =	stileid.u32  }
0x57: {  	s1 =	rddreg [dreg:$0x1];
	p0 =	sne.s32 s2, $0x0  }
0x58: {  	s3 =	rddreg [dreg:$0x2];
	[bflag:$0x3] =	sbarrier.arrive $0xFFFF;
	s2 =	simm.s32 @!p0 $0x1C02  }
0x59: {  	[timem:s3], [sflag:s2] =	dma.local @!p0 [hbm:s0], s1  }
0x5a: {  	s0 =	simm.s32 @!p0 $0x2  }
0x5b: {  	_ =	swait.ge @!p0 [sflag:s0], s1  }
0x5c: {  	s1 =	ssub.s32 @!p0 $0x0, s1;
	[sflag:s0] =	ssyncset.done @!p0 $0x0  }
0x5d: {  	[sflag:s0] =	ssyncadd.s32 @!p0 s1  }
0x5e: {  	[bflag:$0x3] =	sbarrier.arrive $0xFFFF  }
0x5f: {  	_ =	shalt  }

</sc_bundles>
